<compile_context>
chip_gen: v7x
topology: tpu7x:2x2x1
jax: 0.10.2.dev20260603
libtpu: 0.0.44.dev20260713+nightly
codegen_flags: <defaults>
</compile_context>

<pallas_src>
import jax
import jax.numpy as jnp
from jax import lax
from jax.experimental import pallas as pl
from jax.experimental.pallas import tpu as pltpu
from jax.experimental.pallas import tpu_sc as plsc

_N = 10000
_E = 320000
_D = 128
_NC = 2
_NS = 16
_NW = _NC * _NS
_CH = 128
_NCH = 80
_EPT = _NCH * _CH
_EPAD = _NW * _EPT
_NPAD = 10240
_RPD = _NPAD // _NS

_mesh = plsc.VectorSubcoreMesh(core_axis_name="c", subcore_axis_name="s")


def _deg_body(dst_hbm, ones_hbm, zeros_hbm, out_hbm, dst_v, ones_v, acc_sh, sem):
    del sem
    cid = lax.axis_index("c")
    sid = lax.axis_index("s")
    wid = sid * _NC + cid
    pltpu.sync_copy(zeros_hbm, acc_sh.at[pl.ds(sid * _RPD, _RPD)])
    pltpu.sync_copy(ones_hbm, ones_v)
    pltpu.sync_copy(dst_hbm.at[wid], dst_v)
    plsc.subcore_barrier()

    def body(j, carry):
        pltpu.sync_copy(ones_v, acc_sh.at[dst_v.at[j]], add=True)
        return carry

    lax.fori_loop(0, _NCH, body, 0)
    plsc.subcore_barrier()
    pltpu.sync_copy(acc_sh.at[pl.ds(sid * _RPD, _RPD)],
                    out_hbm.at[cid, pl.ds(sid * _RPD, _RPD)])


_deg_call = pl.kernel(
    _deg_body,
    out_type=jax.ShapeDtypeStruct((_NC, _NPAD), jnp.float32),
    mesh=_mesh,
    scratch_types=[
        pltpu.VMEM((_NCH, _CH), jnp.int32),
        pltpu.VMEM((_CH,), jnp.float32),
        pltpu.VMEM_SHARED((_NPAD,), jnp.float32),
        pltpu.SemaphoreType.DMA,
    ],
)


def _agg_body(hs_hbm, src_hbm, dst_hbm, zrows_hbm, out_hbm,
              src_v, dring, rows0, rows1, acc_sh, gsem0, gsem1, dsem0, dsem1):
    cid = lax.axis_index("c")
    sid = lax.axis_index("s")
    wid = sid * _NC + cid
    pltpu.sync_copy(src_hbm.at[wid], src_v)
    pltpu.async_copy(dst_hbm.at[wid, 0], dring.at[0], dsem0)
    pltpu.async_copy(dst_hbm.at[wid, 1], dring.at[1], dsem1)
    pltpu.async_copy(hs_hbm.at[src_v.at[0]], rows0, gsem0)
    pltpu.async_copy(hs_hbm.at[src_v.at[1]], rows1, gsem1)
    pltpu.sync_copy(zrows_hbm, acc_sh.at[pl.ds(sid * _RPD, _RPD)])
    plsc.subcore_barrier()

    def body(j2, carry):
        j = 2 * j2
        for b, buf, gsem, dsem in ((0, rows0, gsem0, dsem0),
                                   (1, rows1, gsem1, dsem1)):
            jj = j + b
            pltpu.make_async_copy(hs_hbm.at[src_v.at[jj]], buf, gsem).wait()
            pltpu.make_async_copy(dst_hbm.at[wid, jj], dring.at[b], dsem).wait()
            pltpu.sync_copy(buf, acc_sh.at[dring.at[b]], add=True)

            @pl.when(jj + 2 < _NCH)
            def _():
                pltpu.async_copy(dst_hbm.at[wid, jj + 2], dring.at[b], dsem)
                pltpu.async_copy(hs_hbm.at[src_v.at[jj + 2]], buf, gsem)

        return carry

    lax.fori_loop(0, _NCH // 2, body, 0)
    plsc.subcore_barrier()
    pltpu.sync_copy(acc_sh.at[pl.ds(sid * _RPD, _RPD)],
                    out_hbm.at[cid, pl.ds(sid * _RPD, _RPD)])


_agg_call = pl.kernel(
    _agg_body,
    out_type=jax.ShapeDtypeStruct((_NC, _NPAD, _D), jnp.float32),
    mesh=_mesh,
    scratch_types=[
        pltpu.VMEM((_NCH, _CH), jnp.int32),
        pltpu.VMEM((2, _CH), jnp.int32),
        pltpu.VMEM((_CH, _D), jnp.float32),
        pltpu.VMEM((_CH, _D), jnp.float32),
        pltpu.VMEM_SHARED((_NPAD, _D), jnp.float32),
        pltpu.SemaphoreType.DMA,
        pltpu.SemaphoreType.DMA,
        pltpu.SemaphoreType.DMA,
        pltpu.SemaphoreType.DMA,
    ],
)


_RB = 1000
_GRID = _N // _RB


def _dinv(degp_ref):
    d = degp_ref[...]
    return lax.rsqrt(d[:, 0] + d[:, 1] + 1.0)[:, None]


def _tc1_body(x_ref, w_ref, degp_ref, hs_ref):
    h = jnp.dot(x_ref[...], w_ref[...], preferred_element_type=jnp.float32)
    hs_ref[...] = h * _dinv(degp_ref)


def _tc1(x, W1, degp):
    return pl.pallas_call(
        _tc1_body,
        grid=(_GRID,),
        in_specs=[
            pl.BlockSpec((_RB, _D), lambda i: (i, 0)),
            pl.BlockSpec((_D, _D), lambda i: (0, 0)),
            pl.BlockSpec((_RB, 2), lambda i: (i, 0)),
        ],
        out_specs=pl.BlockSpec((_RB, _D), lambda i: (i, 0)),
        out_shape=jax.ShapeDtypeStruct((_N, _D), jnp.float32),
    )(x, W1, degp)


def _tc2_body(aggp_ref, hs_ref, b_ref, w_ref, degp_ref, out_ref):
    dinv = _dinv(degp_ref)
    a = aggp_ref[...]
    pre = (a[0] + a[1] + hs_ref[...]) * dinv + b_ref[...]
    h1 = jnp.maximum(pre, 0.0)
    out_ref[...] = jnp.dot(h1, w_ref[...],
                           preferred_element_type=jnp.float32) * dinv


def _tc2(aggp, hs, b, W2, degp):
    return pl.pallas_call(
        _tc2_body,
        grid=(_GRID,),
        in_specs=[
            pl.BlockSpec((2, _RB, _D), lambda i: (0, i, 0)),
            pl.BlockSpec((_RB, _D), lambda i: (i, 0)),
            pl.BlockSpec((1, _D), lambda i: (0, 0)),
            pl.BlockSpec((_D, _D), lambda i: (0, 0)),
            pl.BlockSpec((_RB, 2), lambda i: (i, 0)),
        ],
        out_specs=pl.BlockSpec((_RB, _D), lambda i: (i, 0)),
        out_shape=jax.ShapeDtypeStruct((_N, _D), jnp.float32),
    )(aggp, hs, b, W2, degp)


def _tc3_body(aggp_ref, hs_ref, b2_ref, wc1_ref, bc1_ref, wc2_ref, bc2_ref,
              degp_ref, out_ref):
    dinv = _dinv(degp_ref)
    a = aggp_ref[...]
    h2 = jnp.maximum((a[0] + a[1] + hs_ref[...]) * dinv + b2_ref[...], 0.0)
    c = jnp.maximum(
        jnp.dot(h2, wc1_ref[...], preferred_element_type=jnp.float32)
        + bc1_ref[...], 0.0)
    logits = jnp.dot(c, wc2_ref[...],
                     preferred_element_type=jnp.float32) + bc2_ref[...]
    m = jnp.max(logits, axis=1, keepdims=True)
    s = jnp.sum(jnp.exp(logits - m), axis=1, keepdims=True)
    out_ref[...] = logits - m - jnp.log(s)


def _tc3(aggp, hs, b2, Wc1, bc1, Wc2, bc2, degp):
    nh = Wc1.shape[1]
    no = Wc2.shape[1]
    return pl.pallas_call(
        _tc3_body,
        grid=(_GRID,),
        in_specs=[
            pl.BlockSpec((2, _RB, _D), lambda i: (0, i, 0)),
            pl.BlockSpec((_RB, _D), lambda i: (i, 0)),
            pl.BlockSpec((1, _D), lambda i: (0, 0)),
            pl.BlockSpec((_D, nh), lambda i: (0, 0)),
            pl.BlockSpec((1, nh), lambda i: (0, 0)),
            pl.BlockSpec((nh, no), lambda i: (0, 0)),
            pl.BlockSpec((1, no), lambda i: (0, 0)),
            pl.BlockSpec((_RB, 2), lambda i: (i, 0)),
        ],
        out_specs=pl.BlockSpec((_RB, no), lambda i: (i, 0)),
        out_shape=jax.ShapeDtypeStruct((_N, no), jnp.float32),
    )(aggp, hs, b2, Wc1, bc1, Wc2, bc2, degp)


def kernel(x, edge_index, W1, b1, W2, b2, Wc1, bc1, Wc2, bc2):
    ei = edge_index.astype(jnp.int32)
    pad = _EPAD - _E
    pad_src = jnp.arange(pad, dtype=jnp.int32) % _N
    src = jnp.concatenate([ei[0], pad_src])
    pad_dst = _N + (jnp.arange(pad, dtype=jnp.int32) % (_NPAD - _N))
    dst = jnp.concatenate([ei[1], pad_dst])
    src = src.reshape(_NW, _NCH, _CH)
    dst = dst.reshape(_NW, _NCH, _CH)
    ones_ch = jnp.ones((_CH,), jnp.float32)
    zer_deg = jnp.zeros((_RPD,), jnp.float32)
    zer_rows = jnp.zeros((_RPD, _D), jnp.float32)

    degp = _deg_call(dst, ones_ch, zer_deg)[:, :_N].T
    hs1 = _tc1(x, W1, degp)
    aggp1 = _agg_call(hs1, src, dst, zer_rows)[:, :_N]
    hs2 = _tc2(aggp1, hs1, b1.reshape(1, _D), W2, degp)
    aggp2 = _agg_call(hs2, src, dst, zer_rows)[:, :_N]
    return _tc3(aggp2, hs2, b2.reshape(1, _D), Wc1, bc1.reshape(1, -1),
                Wc2, bc2.reshape(1, -1), degp)

# --- scband reference (transcript-rebuilt; emitter-appended) ---
"""Pipeline reference for scband-gnnclassifier-20426864459782 (READ-ONLY COPY).

The authoritative reference and input builder live on the scoring server;
editing this copy changes nothing except your own understanding.
"""

import jax, jax.numpy as jnp
import numpy as np

N_NODES = 10000
N_EDGES = 320000
D_IN = 128
D_HID = 128
D_OUT = 10


def setup_inputs(seed: int = 0) -> dict:
    key = jax.random.key(seed)
    ks = jax.random.split(key, 12)
    x = jax.random.normal(ks[0], (N_NODES, D_IN), dtype=jnp.float32)
    edge_index = jax.random.randint(ks[1], (2, N_EDGES), 0, N_NODES, dtype=jnp.int64)
    s1 = 1.0 / np.sqrt(D_IN)
    s2 = 1.0 / np.sqrt(D_HID)
    W1 = jax.random.uniform(ks[2], (D_IN, D_HID), minval=-s1, maxval=s1, dtype=jnp.float32)
    b1 = jnp.zeros((D_HID,), dtype=jnp.float32)
    W2 = jax.random.uniform(ks[3], (D_HID, D_HID), minval=-s2, maxval=s2, dtype=jnp.float32)
    b2 = jnp.zeros((D_HID,), dtype=jnp.float32)
    Wc1 = jax.random.uniform(ks[4], (D_HID, D_HID // 2), minval=-s2, maxval=s2, dtype=jnp.float32)
    bc1 = jnp.zeros((D_HID // 2,), dtype=jnp.float32)
    sc = 1.0 / np.sqrt(D_HID // 2)
    Wc2 = jax.random.uniform(ks[5], (D_HID // 2, D_OUT), minval=-sc, maxval=sc, dtype=jnp.float32)
    bc2 = jnp.zeros((D_OUT,), dtype=jnp.float32)
    return {"x": x, "edge_index": edge_index, "W1": W1, "b1": b1, "W2": W2, "b2": b2,
            "Wc1": Wc1, "bc1": bc1, "Wc2": Wc2, "bc2": bc2}


def gcn_conv(x, edge_index, W, b):
    n = x.shape[0]
    loops = jnp.arange(n, dtype=edge_index.dtype)
    src = jnp.concatenate([edge_index[0], loops])
    dst = jnp.concatenate([edge_index[1], loops])
    h = x @ W
    deg = jnp.zeros((n,), dtype=h.dtype).at[dst].add(1.0)
    dinv = jnp.where(deg > 0, 1.0 / jnp.sqrt(deg), 0.0)
    norm = dinv[src] * dinv[dst]
    msgs = h[src] * norm[:, None]
    out = jnp.zeros_like(h).at[dst].add(msgs)
    return out + b


def reference(x, edge_index, W1, b1, W2, b2, Wc1, bc1, Wc2, bc2):
    h = gcn_conv(x, edge_index, W1, b1)
    h = jax.nn.relu(h)
    # dropout inactive in eval mode
    h = gcn_conv(h, edge_index, W2, b2)
    h = jax.nn.relu(h @ Wc1 + bc1)
    h = h @ Wc2 + bc2
    return jax.nn.log_softmax(h, axis=1)

if __name__ == "__main__":
    import jax
    _d = setup_inputs()
    print(jax.jit(kernel)(*tuple(_d.values())))

</pallas_src>

<mosaic_0001>
#map = affine_map<(d0, d1) -> (0, 0, 0)>
#map1 = affine_map<(d0, d1) -> (0)>
#map2 = affine_map<(d0, d1) -> (0, 0)>
module attributes {stable_mosaic.version = 14 : i64} {
  func.func @_deg_body(%arg0: i32, %arg1: i32, %arg2: memref<32x80x128xi32, #tpu.memory_space<hbm>>, %arg3: memref<128xf32, #tpu.memory_space<hbm>>, %arg4: memref<640xf32, #tpu.memory_space<hbm>>, %arg5: memref<2x10240xf32, #tpu.memory_space<hbm>>, %arg6: memref<80x128xi32, #tpu.memory_space<vmem>>, %arg7: memref<128xf32, #tpu.memory_space<vmem>>, %arg8: memref<10240xf32, #tpu.memory_space<vmem_shared>>, %arg9: memref<!tpu.dma_semaphore, #tpu.memory_space<semaphore_mem>>) attributes {dimension_semantics = [#tpu.dimension_semantics<core_parallel>, #tpu.dimension_semantics<subcore_parallel>], iteration_bounds = array<i64: 2, 16>, scalar_prefetch = 0 : i64, scratch_operands = 4 : i64, tpu.core_type = #tpu.core_type<sc_vector_subcore>, window_params = [{transform_indices = #map}, {transform_indices = #map1}, {transform_indices = #map1}, {transform_indices = #map2}]} {
    %mul3A = arith.constant 2 : i32
    %mul3A_0 = arith.muli %arg1, %mul3A : i32
    %add3A = arith.addi %mul3A_0, %arg0 : i32
    %mul3A_1 = arith.constant 640 : i32
    %mul3A_2 = arith.muli %arg1, %mul3A_1 : i32
    "tpu.region"() ({
      %run_scoped3A = tpu.sem_alloc : memref<!tpu.dma_semaphore, #tpu.memory_space<semaphore_mem>>
      %dma_start3A = tpu.memref_slice %arg8[%mul3A_2] : memref<10240xf32, #tpu.memory_space<vmem_shared>> -> memref<640xf32, #tpu.memory_space<vmem_shared>>
      tpu.enqueue_dma source(%arg4 : memref<640xf32, #tpu.memory_space<hbm>>) target(%dma_start3A : memref<640xf32, #tpu.memory_space<vmem_shared>>) target_semaphore(%run_scoped3A : memref<!tpu.dma_semaphore, #tpu.memory_space<semaphore_mem>>)
      %dma_wait3A = tpu.memref_slice %arg8[%mul3A_2] : memref<10240xf32, #tpu.memory_space<vmem_shared>> -> memref<640xf32, #tpu.memory_space<vmem_shared>>
      tpu.wait_dma2 semaphore(%run_scoped3A : memref<!tpu.dma_semaphore, #tpu.memory_space<semaphore_mem>>) src(%arg4 : memref<640xf32, #tpu.memory_space<hbm>>) dst(%dma_wait3A : memref<640xf32, #tpu.memory_space<vmem_shared>>)
      tpu.yield
    }) : () -> ()
    "tpu.region"() ({
      %run_scoped3A = tpu.sem_alloc : memref<!tpu.dma_semaphore, #tpu.memory_space<semaphore_mem>>
      tpu.enqueue_dma source(%arg3 : memref<128xf32, #tpu.memory_space<hbm>>) target(%arg7 : memref<128xf32, #tpu.memory_space<vmem>>) target_semaphore(%run_scoped3A : memref<!tpu.dma_semaphore, #tpu.memory_space<semaphore_mem>>)
      tpu.wait_dma2 semaphore(%run_scoped3A : memref<!tpu.dma_semaphore, #tpu.memory_space<semaphore_mem>>) src(%arg3 : memref<128xf32, #tpu.memory_space<hbm>>) dst(%arg7 : memref<128xf32, #tpu.memory_space<vmem>>)
      tpu.yield
    }) : () -> ()
    "tpu.region"() ({
      %run_scoped3A = tpu.sem_alloc : memref<!tpu.dma_semaphore, #tpu.memory_space<semaphore_mem>>
      %dma_start3A = arith.constant 0 : i32
      %dma_start3A_13 = arith.constant 0 : i32
      %dma_start3A_14 = tpu.memref_slice %arg2[%add3A, %dma_start3A, %dma_start3A_13] : memref<32x80x128xi32, #tpu.memory_space<hbm>> -> memref<1x80x128xi32, #tpu.memory_space<hbm>>
      %dma_start3A_15 = tpu.memref_squeeze %dma_start3A_14 : memref<1x80x128xi32, #tpu.memory_space<hbm>> -> memref<80x128xi32, #tpu.memory_space<hbm>>
      %dma_start3A_16 = arith.constant 0 : i32
      %dma_start3A_17 = arith.constant 0 : i32
      %dma_start3A_18 = tpu.memref_slice %arg2[%add3A, %dma_start3A_16, %dma_start3A_17] : memref<32x80x128xi32, #tpu.memory_space<hbm>> -> memref<1x80x128xi32, #tpu.memory_space<hbm>>
      %dma_start3A_19 = tpu.memref_squeeze %dma_start3A_18 : memref<1x80x128xi32, #tpu.memory_space<hbm>> -> memref<80x128xi32, #tpu.memory_space<hbm>>
      tpu.enqueue_dma source(%dma_start3A_19 : memref<80x128xi32, #tpu.memory_space<hbm>>) target(%arg6 : memref<80x128xi32, #tpu.memory_space<vmem>>) target_semaphore(%run_scoped3A : memref<!tpu.dma_semaphore, #tpu.memory_space<semaphore_mem>>)
      %dma_wait3A = arith.constant 0 : i32
      %dma_wait3A_20 = arith.constant 0 : i32
      %dma_wait3A_21 = tpu.memref_slice %arg2[%add3A, %dma_wait3A, %dma_wait3A_20] : memref<32x80x128xi32, #tpu.memory_space<hbm>> -> memref<1x80x128xi32, #tpu.memory_space<hbm>>
      %dma_wait3A_22 = tpu.memref_squeeze %dma_wait3A_21 : memref<1x80x128xi32, #tpu.memory_space<hbm>> -> memref<80x128xi32, #tpu.memory_space<hbm>>
      %dma_wait3A_23 = arith.constant 0 : i32
      %dma_wait3A_24 = arith.constant 0 : i32
      %dma_wait3A_25 = tpu.memref_slice %arg2[%add3A, %dma_wait3A_23, %dma_wait3A_24] : memref<32x80x128xi32, #tpu.memory_space<hbm>> -> memref<1x80x128xi32, #tpu.memory_space<hbm>>
      %dma_wait3A_26 = tpu.memref_squeeze %dma_wait3A_25 : memref<1x80x128xi32, #tpu.memory_space<hbm>> -> memref<80x128xi32, #tpu.memory_space<hbm>>
      tpu.wait_dma2 semaphore(%run_scoped3A : memref<!tpu.dma_semaphore, #tpu.memory_space<semaphore_mem>>) src(%dma_wait3A_26 : memref<80x128xi32, #tpu.memory_space<hbm>>) dst(%arg6 : memref<80x128xi32, #tpu.memory_space<vmem>>)
      tpu.yield
    }) : () -> ()
    %barrier3A = arith.constant 0 : index
    tpu.barrier barrier_id(%barrier3A)
    %scan3A = arith.constant 0 : i32
    %scan3A_3 = arith.constant 0 : i32
    %scan3A_4 = arith.constant 80 : i32
    %scan3A_5 = arith.addi %scan3A_3, %scan3A_4 : i32
    %scan3A_6 = arith.constant 1 : i32
    scf.for %scan3A_13 = %scan3A_3 to %scan3A_5 step %scan3A_6  : i32 {
      "tpu.region"() ({
        %run_scoped3A = tpu.sem_alloc : memref<!tpu.dma_semaphore, #tpu.memory_space<semaphore_mem>>
        %dma_start3A = arith.constant 0 : i32
        %dma_start3A_14 = tpu.memref_slice %arg6[%scan3A_13, %dma_start3A] : memref<80x128xi32, #tpu.memory_space<vmem>> -> memref<1x128xi32, #tpu.memory_space<vmem>>
        %dma_start3A_15 = tpu.memref_squeeze %dma_start3A_14 : memref<1x128xi32, #tpu.memory_space<vmem>> -> memref<128xi32, #tpu.memory_space<vmem>>
        %dma_start3A_16 = arith.constant 0 : i32
        %dma_start3A_17 = tpu.memref_slice %arg8[%dma_start3A_16] : memref<10240xf32, #tpu.memory_space<vmem_shared>> -> memref<10240xf32, #tpu.memory_space<vmem_shared>>
        tpu.enqueue_indirect_dma source(%arg7 : memref<128xf32, #tpu.memory_space<vmem>>) target(%dma_start3A_17 : memref<10240xf32, #tpu.memory_space<vmem_shared>>) offsets(%dma_start3A_15 : memref<128xi32, #tpu.memory_space<vmem>>) semaphore(%run_scoped3A : memref<!tpu.dma_semaphore, #tpu.memory_space<semaphore_mem>>) {add = true}
        %dma_wait3A = arith.constant 0 : i32
        %dma_wait3A_18 = tpu.memref_slice %arg6[%scan3A_13, %dma_wait3A] : memref<80x128xi32, #tpu.memory_space<vmem>> -> memref<1x128xi32, #tpu.memory_space<vmem>>
        %dma_wait3A_19 = tpu.memref_squeeze %dma_wait3A_18 : memref<1x128xi32, #tpu.memory_space<vmem>> -> memref<128xi32, #tpu.memory_space<vmem>>
        %dma_wait3A_20 = arith.constant 0 : i32
        %dma_wait3A_21 = tpu.memref_slice %arg8[%dma_wait3A_20] : memref<10240xf32, #tpu.memory_space<vmem_shared>> -> memref<10240xf32, #tpu.memory_space<vmem_shared>>
        tpu.wait_indirect_dma semaphore(%run_scoped3A : memref<!tpu.dma_semaphore, #tpu.memory_space<semaphore_mem>>) src(%arg7 : memref<128xf32, #tpu.memory_space<vmem>>) dst(%dma_wait3A_21 : memref<10240xf32, #tpu.memory_space<vmem_shared>>)
        tpu.yield
      }) : () -> ()
    }
    %scan3A_7 = arith.constant 80 : i32
    %barrier3A_8 = arith.constant 0 : index
    tpu.barrier barrier_id(%barrier3A_8)
    %mul3A_9 = arith.constant 640 : i32
    %mul3A_10 = arith.muli %arg1, %mul3A_9 : i32
    %mul3A_11 = arith.constant 640 : i32
    %mul3A_12 = arith.muli %arg1, %mul3A_11 : i32
    "tpu.region"() ({
      %run_scoped3A = tpu.sem_alloc : memref<!tpu.dma_semaphore, #tpu.memory_space<semaphore_mem>>
      %dma_start3A = tpu.memref_slice %arg5[%arg0, %mul3A_12] : memref<2x10240xf32, #tpu.memory_space<hbm>> -> memref<1x640xf32, #tpu.memory_space<hbm>>
      %dma_start3A_13 = tpu.memref_squeeze %dma_start3A : memref<1x640xf32, #tpu.memory_space<hbm>> -> memref<640xf32, #tpu.memory_space<hbm>>
      %dma_start3A_14 = tpu.memref_slice %arg8[%mul3A_10] : memref<10240xf32, #tpu.memory_space<vmem_shared>> -> memref<640xf32, #tpu.memory_space<vmem_shared>>
      tpu.enqueue_dma source(%dma_start3A_14 : memref<640xf32, #tpu.memory_space<vmem_shared>>) target(%dma_start3A_13 : memref<640xf32, #tpu.memory_space<hbm>>) target_semaphore(%run_scoped3A : memref<!tpu.dma_semaphore, #tpu.memory_space<semaphore_mem>>)
      %dma_wait3A = tpu.memref_slice %arg5[%arg0, %mul3A_12] : memref<2x10240xf32, #tpu.memory_space<hbm>> -> memref<1x640xf32, #tpu.memory_space<hbm>>
      %dma_wait3A_15 = tpu.memref_squeeze %dma_wait3A : memref<1x640xf32, #tpu.memory_space<hbm>> -> memref<640xf32, #tpu.memory_space<hbm>>
      %dma_wait3A_16 = tpu.memref_slice %arg8[%mul3A_10] : memref<10240xf32, #tpu.memory_space<vmem_shared>> -> memref<640xf32, #tpu.memory_space<vmem_shared>>
      tpu.wait_dma2 semaphore(%run_scoped3A : memref<!tpu.dma_semaphore, #tpu.memory_space<semaphore_mem>>) src(%dma_wait3A_16 : memref<640xf32, #tpu.memory_space<vmem_shared>>) dst(%dma_wait3A_15 : memref<640xf32, #tpu.memory_space<hbm>>)
      tpu.yield
    }) : () -> ()
    return
  }
}

#map = affine_map<(d0, d1) -> (0, 0)>
#map1 = affine_map<(d0, d1) -> (0, 0, 0)>
module attributes {stable_mosaic.version = 14 : i64} {
  func.func @_agg_body(%arg0: i32, %arg1: i32, %arg2: memref<10000x128xf32, #tpu.memory_space<hbm>>, %arg3: memref<32x80x128xi32, #tpu.memory_space<hbm>>, %arg4: memref<32x80x128xi32, #tpu.memory_space<hbm>>, %arg5: memref<640x128xf32, #tpu.memory_space<hbm>>, %arg6: memref<2x10240x128xf32, #tpu.memory_space<hbm>>, %arg7: memref<80x128xi32, #tpu.memory_space<vmem>>, %arg8: memref<2x128xi32, #tpu.memory_space<vmem>>, %arg9: memref<128x128xf32, #tpu.memory_space<vmem>>, %arg10: memref<128x128xf32, #tpu.memory_space<vmem>>, %arg11: memref<10240x128xf32, #tpu.memory_space<vmem_shared>>, %arg12: memref<!tpu.dma_semaphore, #tpu.memory_space<semaphore_mem>>, %arg13: memref<!tpu.dma_semaphore, #tpu.memory_space<semaphore_mem>>, %arg14: memref<!tpu.dma_semaphore, #tpu.memory_space<semaphore_mem>>, %arg15: memref<!tpu.dma_semaphore, #tpu.memory_space<semaphore_mem>>) attributes {dimension_semantics = [#tpu.dimension_semantics<core_parallel>, #tpu.dimension_semantics<subcore_parallel>], iteration_bounds = array<i64: 2, 16>, scalar_prefetch = 0 : i64, scratch_operands = 9 : i64, tpu.core_type = #tpu.core_type<sc_vector_subcore>, window_params = [{transform_indices = #map}, {transform_indices = #map1}, {transform_indices = #map1}, {transform_indices = #map}, {transform_indices = #map1}]} {
    %mul3A = arith.constant 2 : i32
    %mul3A_0 = arith.muli %arg1, %mul3A : i32
    %add3A = arith.addi %mul3A_0, %arg0 : i32
    "tpu.region"() ({
      %run_scoped3A = tpu.sem_alloc : memref<!tpu.dma_semaphore, #tpu.memory_space<semaphore_mem>>
      %dma_start3A_54 = arith.constant 0 : i32
      %dma_start3A_55 = arith.constant 0 : i32
      %dma_start3A_56 = tpu.memref_slice %arg3[%add3A, %dma_start3A_54, %dma_start3A_55] : memref<32x80x128xi32, #tpu.memory_space<hbm>> -> memref<1x80x128xi32, #tpu.memory_space<hbm>>
      %dma_start3A_57 = tpu.memref_squeeze %dma_start3A_56 : memref<1x80x128xi32, #tpu.memory_space<hbm>> -> memref<80x128xi32, #tpu.memory_space<hbm>>
      %dma_start3A_58 = arith.constant 0 : i32
      %dma_start3A_59 = arith.constant 0 : i32
      %dma_start3A_60 = tpu.memref_slice %arg3[%add3A, %dma_start3A_58, %dma_start3A_59] : memref<32x80x128xi32, #tpu.memory_space<hbm>> -> memref<1x80x128xi32, #tpu.memory_space<hbm>>
      %dma_start3A_61 = tpu.memref_squeeze %dma_start3A_60 : memref<1x80x128xi32, #tpu.memory_space<hbm>> -> memref<80x128xi32, #tpu.memory_space<hbm>>
      tpu.enqueue_dma source(%dma_start3A_61 : memref<80x128xi32, #tpu.memory_space<hbm>>) target(%arg7 : memref<80x128xi32, #tpu.memory_space<vmem>>) target_semaphore(%run_scoped3A : memref<!tpu.dma_semaphore, #tpu.memory_space<semaphore_mem>>)
      %dma_wait3A = arith.constant 0 : i32
      %dma_wait3A_62 = arith.constant 0 : i32
      %dma_wait3A_63 = tpu.memref_slice %arg3[%add3A, %dma_wait3A, %dma_wait3A_62] : memref<32x80x128xi32, #tpu.memory_space<hbm>> -> memref<1x80x128xi32, #tpu.memory_space<hbm>>
      %dma_wait3A_64 = tpu.memref_squeeze %dma_wait3A_63 : memref<1x80x128xi32, #tpu.memory_space<hbm>> -> memref<80x128xi32, #tpu.memory_space<hbm>>
      %dma_wait3A_65 = arith.constant 0 : i32
      %dma_wait3A_66 = arith.constant 0 : i32
      %dma_wait3A_67 = tpu.memref_slice %arg3[%add3A, %dma_wait3A_65, %dma_wait3A_66] : memref<32x80x128xi32, #tpu.memory_space<hbm>> -> memref<1x80x128xi32, #tpu.memory_space<hbm>>
      %dma_wait3A_68 = tpu.memref_squeeze %dma_wait3A_67 : memref<1x80x128xi32, #tpu.memory_space<hbm>> -> memref<80x128xi32, #tpu.memory_space<hbm>>
      tpu.wait_dma2 semaphore(%run_scoped3A : memref<!tpu.dma_semaphore, #tpu.memory_space<semaphore_mem>>) src(%dma_wait3A_68 : memref<80x128xi32, #tpu.memory_space<hbm>>) dst(%arg7 : memref<80x128xi32, #tpu.memory_space<vmem>>)
      tpu.yield
    }) : () -> ()
    %dma_start3A = arith.constant 0 : i32
    %dma_start3A_1 = arith.constant 0 : i32
    %dma_start3A_2 = arith.constant 0 : i32
    %dma_start3A_3 = tpu.memref_slice %arg8[%dma_start3A_1, %dma_start3A_2] : memref<2x128xi32, #tpu.memory_space<vmem>> -> memref<1x128xi32, #tpu.memory_space<vmem>>
    %dma_start3A_4 = tpu.memref_squeeze %dma_start3A_3 : memref<1x128xi32, #tpu.memory_space<vmem>> -> memref<128xi32, #tpu.memory_space<vmem>>
    %dma_start3A_5 = arith.constant 0 : i32
    %dma_start3A_6 = tpu.memref_slice %arg4[%add3A, %dma_start3A, %dma_start3A_5] : memref<32x80x128xi32, #tpu.memory_space<hbm>> -> memref<1x1x128xi32, #tpu.memory_space<hbm>>
    %dma_start3A_7 = tpu.memref_squeeze %dma_start3A_6 : memref<1x1x128xi32, #tpu.memory_space<hbm>> -> memref<128xi32, #tpu.memory_space<hbm>>
    %dma_start3A_8 = arith.constant 0 : i32
    %dma_start3A_9 = tpu.memref_slice %arg8[%dma_start3A_1, %dma_start3A_8] : memref<2x128xi32, #tpu.memory_space<vmem>> -> memref<1x128xi32, #tpu.memory_space<vmem>>
    %dma_start3A_10 = tpu.memref_squeeze %dma_start3A_9 : memref<1x128xi32, #tpu.memory_space<vmem>> -> memref<128xi32, #tpu.memory_space<vmem>>
    %dma_start3A_11 = arith.constant 0 : i32
    %dma_start3A_12 = tpu.memref_slice %arg4[%add3A, %dma_start3A, %dma_start3A_11] : memref<32x80x128xi32, #tpu.memory_space<hbm>> -> memref<1x1x128xi32, #tpu.memory_space<hbm>>
    %dma_start3A_13 = tpu.memref_squeeze %dma_start3A_12 : memref<1x1x128xi32, #tpu.memory_space<hbm>> -> memref<128xi32, #tpu.memory_space<hbm>>
    tpu.enqueue_dma source(%dma_start3A_13 : memref<128xi32, #tpu.memory_space<hbm>>) target(%dma_start3A_10 : memref<128xi32, #tpu.memory_space<vmem>>) target_semaphore(%arg14 : memref<!tpu.dma_semaphore, #tpu.memory_space<semaphore_mem>>)
    %dma_start3A_14 = arith.constant 1 : i32
    %dma_start3A_15 = arith.constant 1 : i32
    %dma_start3A_16 = arith.constant 0 : i32
    %dma_start3A_17 = tpu.memref_slice %arg8[%dma_start3A_15, %dma_start3A_16] : memref<2x128xi32, #tpu.memory_space<vmem>> -> memref<1x128xi32, #tpu.memory_space<vmem>>
    %dma_start3A_18 = tpu.memref_squeeze %dma_start3A_17 : memref<1x128xi32, #tpu.memory_space<vmem>> -> memref<128xi32, #tpu.memory_space<vmem>>
    %dma_start3A_19 = arith.constant 0 : i32
    %dma_start3A_20 = tpu.memref_slice %arg4[%add3A, %dma_start3A_14, %dma_start3A_19] : memref<32x80x128xi32, #tpu.memory_space<hbm>> -> memref<1x1x128xi32, #tpu.memory_space<hbm>>
    %dma_start3A_21 = tpu.memref_squeeze %dma_start3A_20 : memref<1x1x128xi32, #tpu.memory_space<hbm>> -> memref<128xi32, #tpu.memory_space<hbm>>
    %dma_start3A_22 = arith.constant 0 : i32
    %dma_start3A_23 = tpu.memref_slice %arg8[%dma_start3A_15, %dma_start3A_22] : memref<2x128xi32, #tpu.memory_space<vmem>> -> memref<1x128xi32, #tpu.memory_space<vmem>>
    %dma_start3A_24 = tpu.memref_squeeze %dma_start3A_23 : memref<1x128xi32, #tpu.memory_space<vmem>> -> memref<128xi32, #tpu.memory_space<vmem>>
    %dma_start3A_25 = arith.constant 0 : i32
    %dma_start3A_26 = tpu.memref_slice %arg4[%add3A, %dma_start3A_14, %dma_start3A_25] : memref<32x80x128xi32, #tpu.memory_space<hbm>> -> memref<1x1x128xi32, #tpu.memory_space<hbm>>
    %dma_start3A_27 = tpu.memref_squeeze %dma_start3A_26 : memref<1x1x128xi32, #tpu.memory_space<hbm>> -> memref<128xi32, #tpu.memory_space<hbm>>
    tpu.enqueue_dma source(%dma_start3A_27 : memref<128xi32, #tpu.memory_space<hbm>>) target(%dma_start3A_24 : memref<128xi32, #tpu.memory_space<vmem>>) target_semaphore(%arg15 : memref<!tpu.dma_semaphore, #tpu.memory_space<semaphore_mem>>)
    %dma_start3A_28 = arith.constant 0 : i32
    %dma_start3A_29 = arith.constant 0 : i32
    %dma_start3A_30 = tpu.memref_slice %arg7[%dma_start3A_28, %dma_start3A_29] : memref<80x128xi32, #tpu.memory_space<vmem>> -> memref<1x128xi32, #tpu.memory_space<vmem>>
    %dma_start3A_31 = tpu.memref_squeeze %dma_start3A_30 : memref<1x128xi32, #tpu.memory_space<vmem>> -> memref<128xi32, #tpu.memory_space<vmem>>
    %dma_start3A_32 = arith.constant 0 : i32
    %dma_start3A_33 = arith.constant 0 : i32
    %dma_start3A_34 = tpu.memref_slice %arg2[%dma_start3A_32, %dma_start3A_33] : memref<10000x128xf32, #tpu.memory_space<hbm>> -> memref<10000x128xf32, #tpu.memory_space<hbm>>
    tpu.enqueue_indirect_dma source(%dma_start3A_34 : memref<10000x128xf32, #tpu.memory_space<hbm>>) target(%arg9 : memref<128x128xf32, #tpu.memory_space<vmem>>) offsets(%dma_start3A_31 : memref<128xi32, #tpu.memory_space<vmem>>) semaphore(%arg12 : memref<!tpu.dma_semaphore, #tpu.memory_space<semaphore_mem>>)
    %dma_start3A_35 = arith.constant 1 : i32
    %dma_start3A_36 = arith.constant 0 : i32
    %dma_start3A_37 = tpu.memref_slice %arg7[%dma_start3A_35, %dma_start3A_36] : memref<80x128xi32, #tpu.memory_space<vmem>> -> memref<1x128xi32, #tpu.memory_space<vmem>>
    %dma_start3A_38 = tpu.memref_squeeze %dma_start3A_37 : memref<1x128xi32, #tpu.memory_space<vmem>> -> memref<128xi32, #tpu.memory_space<vmem>>
    %dma_start3A_39 = arith.constant 0 : i32
    %dma_start3A_40 = arith.constant 0 : i32
    %dma_start3A_41 = tpu.memref_slice %arg2[%dma_start3A_39, %dma_start3A_40] : memref<10000x128xf32, #tpu.memory_space<hbm>> -> memref<10000x128xf32, #tpu.memory_space<hbm>>
    tpu.enqueue_indirect_dma source(%dma_start3A_41 : memref<10000x128xf32, #tpu.memory_space<hbm>>) target(%arg10 : memref<128x128xf32, #tpu.memory_space<vmem>>) offsets(%dma_start3A_38 : memref<128xi32, #tpu.memory_space<vmem>>) semaphore(%arg13 : memref<!tpu.dma_semaphore, #tpu.memory_space<semaphore_mem>>)
    %mul3A_42 = arith.constant 640 : i32
    %mul3A_43 = arith.muli %arg1, %mul3A_42 : i32
    "tpu.region"() ({
      %run_scoped3A = tpu.sem_alloc : memref<!tpu.dma_semaphore, #tpu.memory_space<semaphore_mem>>
      %dma_start3A_54 = arith.constant 0 : i32
      %dma_start3A_55 = tpu.memref_slice %arg11[%mul3A_43, %dma_start3A_54] : memref<10240x128xf32, #tpu.memory_space<vmem_shared>> -> memref<640x128xf32, #tpu.memory_space<vmem_shared>>
      tpu.enqueue_dma source(%arg5 : memref<640x128xf32, #tpu.memory_space<hbm>>) target(%dma_start3A_55 : memref<640x128xf32, #tpu.memory_space<vmem_shared>>) target_semaphore(%run_scoped3A : memref<!tpu.dma_semaphore, #tpu.memory_space<semaphore_mem>>)
      %dma_wait3A = arith.constant 0 : i32
      %dma_wait3A_56 = tpu.memref_slice %arg11[%mul3A_43, %dma_wait3A] : memref<10240x128xf32, #tpu.memory_space<vmem_shared>> -> memref<640x128xf32, #tpu.memory_space<vmem_shared>>
      tpu.wait_dma2 semaphore(%run_scoped3A : memref<!tpu.dma_semaphore, #tpu.memory_space<semaphore_mem>>) src(%arg5 : memref<640x128xf32, #tpu.memory_space<hbm>>) dst(%dma_wait3A_56 : memref<640x128xf32, #tpu.memory_space<vmem_shared>>)
      tpu.yield
    }) : () -> ()
    %barrier3A = arith.constant 0 : index
    tpu.barrier barrier_id(%barrier3A)
    %scan3A = arith.constant 0 : i32
    %scan3A_44 = arith.constant 0 : i32
    %scan3A_45 = arith.constant 40 : i32
    %scan3A_46 = arith.addi %scan3A_44, %scan3A_45 : i32
    %scan3A_47 = arith.constant 1 : i32
    scf.for %scan3A_54 = %scan3A_44 to %scan3A_46 step %scan3A_47  : i32 {
      %mul3A_55 = arith.constant 2 : i32
      %mul3A_56 = arith.muli %mul3A_55, %scan3A_54 : i32
      %add3A_57 = arith.constant 0 : i32
      %add3A_58 = arith.addi %mul3A_56, %add3A_57 : i32
      %dma_wait3A = arith.constant 0 : i32
      %dma_wait3A_59 = tpu.memref_slice %arg7[%add3A_58, %dma_wait3A] : memref<80x128xi32, #tpu.memory_space<vmem>> -> memref<1x128xi32, #tpu.memory_space<vmem>>
      %dma_wait3A_60 = tpu.memref_squeeze %dma_wait3A_59 : memref<1x128xi32, #tpu.memory_space<vmem>> -> memref<128xi32, #tpu.memory_space<vmem>>
      %dma_wait3A_61 = arith.constant 0 : i32
      %dma_wait3A_62 = arith.constant 0 : i32
      %dma_wait3A_63 = tpu.memref_slice %arg2[%dma_wait3A_61, %dma_wait3A_62] : memref<10000x128xf32, #tpu.memory_space<hbm>> -> memref<10000x128xf32, #tpu.memory_space<hbm>>
      tpu.wait_indirect_dma semaphore(%arg12 : memref<!tpu.dma_semaphore, #tpu.memory_space<semaphore_mem>>) src(%dma_wait3A_63 : memref<10000x128xf32, #tpu.memory_space<hbm>>) dst(%arg9 : memref<128x128xf32, #tpu.memory_space<vmem>>)
      %dma_wait3A_64 = arith.constant 0 : i32
      %dma_wait3A_65 = arith.constant 0 : i32
      %dma_wait3A_66 = tpu.memref_slice %arg8[%dma_wait3A_64, %dma_wait3A_65] : memref<2x128xi32, #tpu.memory_space<vmem>> -> memref<1x128xi32, #tpu.memory_space<vmem>>
      %dma_wait3A_67 = tpu.memref_squeeze %dma_wait3A_66 : memref<1x128xi32, #tpu.memory_space<vmem>> -> memref<128xi32, #tpu.memory_space<vmem>>
      %dma_wait3A_68 = arith.constant 0 : i32
      %dma_wait3A_69 = tpu.memref_slice %arg4[%add3A, %add3A_58, %dma_wait3A_68] : memref<32x80x128xi32, #tpu.memory_space<hbm>> -> memref<1x1x128xi32, #tpu.memory_space<hbm>>
      %dma_wait3A_70 = tpu.memref_squeeze %dma_wait3A_69 : memref<1x1x128xi32, #tpu.memory_space<hbm>> -> memref<128xi32, #tpu.memory_space<hbm>>
      %dma_wait3A_71 = arith.constant 0 : i32
      %dma_wait3A_72 = tpu.memref_slice %arg8[%dma_wait3A_64, %dma_wait3A_71] : memref<2x128xi32, #tpu.memory_space<vmem>> -> memref<1x128xi32, #tpu.memory_space<vmem>>
      %dma_wait3A_73 = tpu.memref_squeeze %dma_wait3A_72 : memref<1x128xi32, #tpu.memory_space<vmem>> -> memref<128xi32, #tpu.memory_space<vmem>>
      %dma_wait3A_74 = arith.constant 0 : i32
      %dma_wait3A_75 = tpu.memref_slice %arg4[%add3A, %add3A_58, %dma_wait3A_74] : memref<32x80x128xi32, #tpu.memory_space<hbm>> -> memref<1x1x128xi32, #tpu.memory_space<hbm>>
      %dma_wait3A_76 = tpu.memref_squeeze %dma_wait3A_75 : memref<1x1x128xi32, #tpu.memory_space<hbm>> -> memref<128xi32, #tpu.memory_space<hbm>>
      tpu.wait_dma2 semaphore(%arg14 : memref<!tpu.dma_semaphore, #tpu.memory_space<semaphore_mem>>) src(%dma_wait3A_76 : memref<128xi32, #tpu.memory_space<hbm>>) dst(%dma_wait3A_73 : memref<128xi32, #tpu.memory_space<vmem>>)
      %run_scoped3A = arith.constant 0 : i32
      "tpu.region"() ({
        %run_scoped3A_110 = tpu.sem_alloc : memref<!tpu.dma_semaphore, #tpu.memory_space<semaphore_mem>>
        %dma_start3A_111 = arith.constant 0 : i32
        %dma_start3A_112 = tpu.memref_slice %arg8[%run_scoped3A, %dma_start3A_111] : memref<2x128xi32, #tpu.memory_space<vmem>> -> memref<1x128xi32, #tpu.memory_space<vmem>>
        %dma_start3A_113 = tpu.memref_squeeze %dma_start3A_112 : memref<1x128xi32, #tpu.memory_space<vmem>> -> memref<128xi32, #tpu.memory_space<vmem>>
        %dma_start3A_114 = arith.constant 0 : i32
        %dma_start3A_115 = arith.constant 0 : i32
        %dma_start3A_116 = tpu.memref_slice %arg11[%dma_start3A_114, %dma_start3A_115] : memref<10240x128xf32, #tpu.memory_space<vmem_shared>> -> memref<10240x128xf32, #tpu.memory_space<vmem_shared>>
        tpu.enqueue_indirect_dma source(%arg9 : memref<128x128xf32, #tpu.memory_space<vmem>>) target(%dma_start3A_116 : memref<10240x128xf32, #tpu.memory_space<vmem_shared>>) offsets(%dma_start3A_113 : memref<128xi32, #tpu.memory_space<vmem>>) semaphore(%run_scoped3A_110 : memref<!tpu.dma_semaphore, #tpu.memory_space<semaphore_mem>>) {add = true}
        %dma_wait3A_117 = arith.constant 0 : i32
        %dma_wait3A_118 = tpu.memref_slice %arg8[%run_scoped3A, %dma_wait3A_117] : memref<2x128xi32, #tpu.memory_space<vmem>> -> memref<1x128xi32, #tpu.memory_space<vmem>>
        %dma_wait3A_119 = tpu.memref_squeeze %dma_wait3A_118 : memref<1x128xi32, #tpu.memory_space<vmem>> -> memref<128xi32, #tpu.memory_space<vmem>>
        %dma_wait3A_120 = arith.constant 0 : i32
        %dma_wait3A_121 = arith.constant 0 : i32
        %dma_wait3A_122 = tpu.memref_slice %arg11[%dma_wait3A_120, %dma_wait3A_121] : memref<10240x128xf32, #tpu.memory_space<vmem_shared>> -> memref<10240x128xf32, #tpu.memory_space<vmem_shared>>
        tpu.wait_indirect_dma semaphore(%run_scoped3A_110 : memref<!tpu.dma_semaphore, #tpu.memory_space<semaphore_mem>>) src(%arg9 : memref<128x128xf32, #tpu.memory_space<vmem>>) dst(%dma_wait3A_122 : memref<10240x128xf32, #tpu.memory_space<vmem_shared>>)
        tpu.yield
      }) : () -> ()
      %add3A_77 = arith.constant 2 : i32
      %add3A_78 = arith.addi %add3A_58, %add3A_77 : i32
      %lt3A = arith.constant 80 : i32
      %lt3A_79 = arith.cmpi slt, %add3A_78, %lt3A : i32
      %convert_element_type3A = arith.extui %lt3A_79 : i1 to i32
      %cond3A = arith.constant 0 : i32
      %cond3A_80 = arith.cmpi ne, %convert_element_type3A, %cond3A : i32
      scf.if %cond3A_80 {
        %add3A_110 = arith.constant 2 : i32
        %add3A_111 = arith.addi %add3A_58, %add3A_110 : i32
        %dma_start3A_112 = arith.constant 0 : i32
        %dma_start3A_113 = arith.constant 0 : i32
        %dma_start3A_114 = tpu.memref_slice %arg8[%dma_start3A_112, %dma_start3A_113] : memref<2x128xi32, #tpu.memory_space<vmem>> -> memref<1x128xi32, #tpu.memory_space<vmem>>
        %dma_start3A_115 = tpu.memref_squeeze %dma_start3A_114 : memref<1x128xi32, #tpu.memory_space<vmem>> -> memref<128xi32, #tpu.memory_space<vmem>>
        %dma_start3A_116 = arith.constant 0 : i32
        %dma_start3A_117 = tpu.memref_slice %arg4[%add3A, %add3A_111, %dma_start3A_116] : memref<32x80x128xi32, #tpu.memory_space<hbm>> -> memref<1x1x128xi32, #tpu.memory_space<hbm>>
        %dma_start3A_118 = tpu.memref_squeeze %dma_start3A_117 : memref<1x1x128xi32, #tpu.memory_space<hbm>> -> memref<128xi32, #tpu.memory_space<hbm>>
        %dma_start3A_119 = arith.constant 0 : i32
        %dma_start3A_120 = tpu.memref_slice %arg8[%dma_start3A_112, %dma_start3A_119] : memref<2x128xi32, #tpu.memory_space<vmem>> -> memref<1x128xi32, #tpu.memory_space<vmem>>
        %dma_start3A_121 = tpu.memref_squeeze %dma_start3A_120 : memref<1x128xi32, #tpu.memory_space<vmem>> -> memref<128xi32, #tpu.memory_space<vmem>>
        %dma_start3A_122 = arith.constant 0 : i32
        %dma_start3A_123 = tpu.memref_slice %arg4[%add3A, %add3A_111, %dma_start3A_122] : memref<32x80x128xi32, #tpu.memory_space<hbm>> -> memref<1x1x128xi32, #tpu.memory_space<hbm>>
        %dma_start3A_124 = tpu.memref_squeeze %dma_start3A_123 : memref<1x1x128xi32, #tpu.memory_space<hbm>> -> memref<128xi32, #tpu.memory_space<hbm>>
        tpu.enqueue_dma source(%dma_start3A_124 : memref<128xi32, #tpu.memory_space<hbm>>) target(%dma_start3A_121 : memref<128xi32, #tpu.memory_space<vmem>>) target_semaphore(%arg14 : memref<!tpu.dma_semaphore, #tpu.memory_space<semaphore_mem>>)
        %add3A_125 = arith.constant 2 : i32
        %add3A_126 = arith.addi %add3A_58, %add3A_125 : i32
        %dma_start3A_127 = arith.constant 0 : i32
        %dma_start3A_128 = tpu.memref_slice %arg7[%add3A_126, %dma_start3A_127] : memref<80x128xi32, #tpu.memory_space<vmem>> -> memref<1x128xi32, #tpu.memory_space<vmem>>
        %dma_start3A_129 = tpu.memref_squeeze %dma_start3A_128 : memref<1x128xi32, #tpu.memory_space<vmem>> -> memref<128xi32, #tpu.memory_space<vmem>>
        %dma_start3A_130 = arith.constant 0 : i32
        %dma_start3A_131 = arith.constant 0 : i32
        %dma_start3A_132 = tpu.memref_slice %arg2[%dma_start3A_130, %dma_start3A_131] : memref<10000x128xf32, #tpu.memory_space<hbm>> -> memref<10000x128xf32, #tpu.memory_space<hbm>>
        tpu.enqueue_indirect_dma source(%dma_start3A_132 : memref<10000x128xf32, #tpu.memory_space<hbm>>) target(%arg9 : memref<128x128xf32, #tpu.memory_space<vmem>>) offsets(%dma_start3A_129 : memref<128xi32, #tpu.memory_space<vmem>>) semaphore(%arg12 : memref<!tpu.dma_semaphore, #tpu.memory_space<semaphore_mem>>)
      } else {
      }
      %add3A_81 = arith.constant 1 : i32
      %add3A_82 = arith.addi %mul3A_56, %add3A_81 : i32
      %dma_wait3A_83 = arith.constant 0 : i32
      %dma_wait3A_84 = tpu.memref_slice %arg7[%add3A_82, %dma_wait3A_83] : memref<80x128xi32, #tpu.memory_space<vmem>> -> memref<1x128xi32, #tpu.memory_space<vmem>>
      %dma_wait3A_85 = tpu.memref_squeeze %dma_wait3A_84 : memref<1x128xi32, #tpu.memory_space<vmem>> -> memref<128xi32, #tpu.memory_space<vmem>>
      %dma_wait3A_86 = arith.constant 0 : i32
      %dma_wait3A_87 = arith.constant 0 : i32
      %dma_wait3A_88 = tpu.memref_slice %arg2[%dma_wait3A_86, %dma_wait3A_87] : memref<10000x128xf32, #tpu.memory_space<hbm>> -> memref<10000x128xf32, #tpu.memory_space<hbm>>
      tpu.wait_indirect_dma semaphore(%arg13 : memref<!tpu.dma_semaphore, #tpu.memory_space<semaphore_mem>>) src(%dma_wait3A_88 : memref<10000x128xf32, #tpu.memory_space<hbm>>) dst(%arg10 : memref<128x128xf32, #tpu.memory_space<vmem>>)
      %dma_wait3A_89 = arith.constant 1 : i32
      %dma_wait3A_90 = arith.constant 0 : i32
      %dma_wait3A_91 = tpu.memref_slice %arg8[%dma_wait3A_89, %dma_wait3A_90] : memref<2x128xi32, #tpu.memory_space<vmem>> -> memref<1x128xi32, #tpu.memory_space<vmem>>
      %dma_wait3A_92 = tpu.memref_squeeze %dma_wait3A_91 : memref<1x128xi32, #tpu.memory_space<vmem>> -> memref<128xi32, #tpu.memory_space<vmem>>
      %dma_wait3A_93 = arith.constant 0 : i32
      %dma_wait3A_94 = tpu.memref_slice %arg4[%add3A, %add3A_82, %dma_wait3A_93] : memref<32x80x128xi32, #tpu.memory_space<hbm>> -> memref<1x1x128xi32, #tpu.memory_space<hbm>>
      %dma_wait3A_95 = tpu.memref_squeeze %dma_wait3A_94 : memref<1x1x128xi32, #tpu.memory_space<hbm>> -> memref<128xi32, #tpu.memory_space<hbm>>
      %dma_wait3A_96 = arith.constant 0 : i32
      %dma_wait3A_97 = tpu.memref_slice %arg8[%dma_wait3A_89, %dma_wait3A_96] : memref<2x128xi32, #tpu.memory_space<vmem>> -> memref<1x128xi32, #tpu.memory_space<vmem>>
      %dma_wait3A_98 = tpu.memref_squeeze %dma_wait3A_97 : memref<1x128xi32, #tpu.memory_space<vmem>> -> memref<128xi32, #tpu.memory_space<vmem>>
      %dma_wait3A_99 = arith.constant 0 : i32
      %dma_wait3A_100 = tpu.memref_slice %arg4[%add3A, %add3A_82, %dma_wait3A_99] : memref<32x80x128xi32, #tpu.memory_space<hbm>> -> memref<1x1x128xi32, #tpu.memory_space<hbm>>
      %dma_wait3A_101 = tpu.memref_squeeze %dma_wait3A_100 : memref<1x1x128xi32, #tpu.memory_space<hbm>> -> memref<128xi32, #tpu.memory_space<hbm>>
      tpu.wait_dma2 semaphore(%arg15 : memref<!tpu.dma_semaphore, #tpu.memory_space<semaphore_mem>>) src(%dma_wait3A_101 : memref<128xi32, #tpu.memory_space<hbm>>) dst(%dma_wait3A_98 : memref<128xi32, #tpu.memory_space<vmem>>)
      %run_scoped3A_102 = arith.constant 1 : i32
      "tpu.region"() ({
        %run_scoped3A_110 = tpu.sem_alloc : memref<!tpu.dma_semaphore, #tpu.memory_space<semaphore_mem>>
        %dma_start3A_111 = arith.constant 0 : i32
        %dma_start3A_112 = tpu.memref_slice %arg8[%run_scoped3A_102, %dma_start3A_111] : memref<2x128xi32, #tpu.memory_space<vmem>> -> memref<1x128xi32, #tpu.memory_space<vmem>>
        %dma_start3A_113 = tpu.memref_squeeze %dma_start3A_112 : memref<1x128xi32, #tpu.memory_space<vmem>> -> memref<128xi32, #tpu.memory_space<vmem>>
        %dma_start3A_114 = arith.constant 0 : i32
        %dma_start3A_115 = arith.constant 0 : i32
        %dma_start3A_116 = tpu.memref_slice %arg11[%dma_start3A_114, %dma_start3A_115] : memref<10240x128xf32, #tpu.memory_space<vmem_shared>> -> memref<10240x128xf32, #tpu.memory_space<vmem_shared>>
        tpu.enqueue_indirect_dma source(%arg10 : memref<128x128xf32, #tpu.memory_space<vmem>>) target(%dma_start3A_116 : memref<10240x128xf32, #tpu.memory_space<vmem_shared>>) offsets(%dma_start3A_113 : memref<128xi32, #tpu.memory_space<vmem>>) semaphore(%run_scoped3A_110 : memref<!tpu.dma_semaphore, #tpu.memory_space<semaphore_mem>>) {add = true}
        %dma_wait3A_117 = arith.constant 0 : i32
        %dma_wait3A_118 = tpu.memref_slice %arg8[%run_scoped3A_102, %dma_wait3A_117] : memref<2x128xi32, #tpu.memory_space<vmem>> -> memref<1x128xi32, #tpu.memory_space<vmem>>
        %dma_wait3A_119 = tpu.memref_squeeze %dma_wait3A_118 : memref<1x128xi32, #tpu.memory_space<vmem>> -> memref<128xi32, #tpu.memory_space<vmem>>
        %dma_wait3A_120 = arith.constant 0 : i32
        %dma_wait3A_121 = arith.constant 0 : i32
        %dma_wait3A_122 = tpu.memref_slice %arg11[%dma_wait3A_120, %dma_wait3A_121] : memref<10240x128xf32, #tpu.memory_space<vmem_shared>> -> memref<10240x128xf32, #tpu.memory_space<vmem_shared>>
        tpu.wait_indirect_dma semaphore(%run_scoped3A_110 : memref<!tpu.dma_semaphore, #tpu.memory_space<semaphore_mem>>) src(%arg10 : memref<128x128xf32, #tpu.memory_space<vmem>>) dst(%dma_wait3A_122 : memref<10240x128xf32, #tpu.memory_space<vmem_shared>>)
        tpu.yield
      }) : () -> ()
      %add3A_103 = arith.constant 2 : i32
      %add3A_104 = arith.addi %add3A_82, %add3A_103 : i32
      %lt3A_105 = arith.constant 80 : i32
      %lt3A_106 = arith.cmpi slt, %add3A_104, %lt3A_105 : i32
      %convert_element_type3A_107 = arith.extui %lt3A_106 : i1 to i32
      %cond3A_108 = arith.constant 0 : i32
      %cond3A_109 = arith.cmpi ne, %convert_element_type3A_107, %cond3A_108 : i32
      scf.if %cond3A_109 {
        %add3A_110 = arith.constant 2 : i32
        %add3A_111 = arith.addi %add3A_82, %add3A_110 : i32
        %dma_start3A_112 = arith.constant 1 : i32
        %dma_start3A_113 = arith.constant 0 : i32
        %dma_start3A_114 = tpu.memref_slice %arg8[%dma_start3A_112, %dma_start3A_113] : memref<2x128xi32, #tpu.memory_space<vmem>> -> memref<1x128xi32, #tpu.memory_space<vmem>>
        %dma_start3A_115 = tpu.memref_squeeze %dma_start3A_114 : memref<1x128xi32, #tpu.memory_space<vmem>> -> memref<128xi32, #tpu.memory_space<vmem>>
        %dma_start3A_116 = arith.constant 0 : i32
        %dma_start3A_117 = tpu.memref_slice %arg4[%add3A, %add3A_111, %dma_start3A_116] : memref<32x80x128xi32, #tpu.memory_space<hbm>> -> memref<1x1x128xi32, #tpu.memory_space<hbm>>
        %dma_start3A_118 = tpu.memref_squeeze %dma_start3A_117 : memref<1x1x128xi32, #tpu.memory_space<hbm>> -> memref<128xi32, #tpu.memory_space<hbm>>
        %dma_start3A_119 = arith.constant 0 : i32
        %dma_start3A_120 = tpu.memref_slice %arg8[%dma_start3A_112, %dma_start3A_119] : memref<2x128xi32, #tpu.memory_space<vmem>> -> memref<1x128xi32, #tpu.memory_space<vmem>>
        %dma_start3A_121 = tpu.memref_squeeze %dma_start3A_120 : memref<1x128xi32, #tpu.memory_space<vmem>> -> memref<128xi32, #tpu.memory_space<vmem>>
        %dma_start3A_122 = arith.constant 0 : i32
        %dma_start3A_123 = tpu.memref_slice %arg4[%add3A, %add3A_111, %dma_start3A_122] : memref<32x80x128xi32, #tpu.memory_space<hbm>> -> memref<1x1x128xi32, #tpu.memory_space<hbm>>
        %dma_start3A_124 = tpu.memref_squeeze %dma_start3A_123 : memref<1x1x128xi32, #tpu.memory_space<hbm>> -> memref<128xi32, #tpu.memory_space<hbm>>
        tpu.enqueue_dma source(%dma_start3A_124 : memref<128xi32, #tpu.memory_space<hbm>>) target(%dma_start3A_121 : memref<128xi32, #tpu.memory_space<vmem>>) target_semaphore(%arg15 : memref<!tpu.dma_semaphore, #tpu.memory_space<semaphore_mem>>)
        %add3A_125 = arith.constant 2 : i32
        %add3A_126 = arith.addi %add3A_82, %add3A_125 : i32
        %dma_start3A_127 = arith.constant 0 : i32
        %dma_start3A_128 = tpu.memref_slice %arg7[%add3A_126, %dma_start3A_127] : memref<80x128xi32, #tpu.memory_space<vmem>> -> memref<1x128xi32, #tpu.memory_space<vmem>>
        %dma_start3A_129 = tpu.memref_squeeze %dma_start3A_128 : memref<1x128xi32, #tpu.memory_space<vmem>> -> memref<128xi32, #tpu.memory_space<vmem>>
        %dma_start3A_130 = arith.constant 0 : i32
        %dma_start3A_131 = arith.constant 0 : i32
        %dma_start3A_132 = tpu.memref_slice %arg2[%dma_start3A_130, %dma_start3A_131] : memref<10000x128xf32, #tpu.memory_space<hbm>> -> memref<10000x128xf32, #tpu.memory_space<hbm>>
        tpu.enqueue_indirect_dma source(%dma_start3A_132 : memref<10000x128xf32, #tpu.memory_space<hbm>>) target(%arg10 : memref<128x128xf32, #tpu.memory_space<vmem>>) offsets(%dma_start3A_129 : memref<128xi32, #tpu.memory_space<vmem>>) semaphore(%arg13 : memref<!tpu.dma_semaphore, #tpu.memory_space<semaphore_mem>>)
      } else {
      }
    }
    %scan3A_48 = arith.constant 40 : i32
    %barrier3A_49 = arith.constant 0 : index
    tpu.barrier barrier_id(%barrier3A_49)
    %mul3A_50 = arith.constant 640 : i32
    %mul3A_51 = arith.muli %arg1, %mul3A_50 : i32
    %mul3A_52 = arith.constant 640 : i32
    %mul3A_53 = arith.muli %arg1, %mul3A_52 : i32
    "tpu.region"() ({
      %run_scoped3A = tpu.sem_alloc : memref<!tpu.dma_semaphore, #tpu.memory_space<semaphore_mem>>
      %dma_start3A_54 = arith.constant 0 : i32
      %dma_start3A_55 = tpu.memref_slice %arg6[%arg0, %mul3A_53, %dma_start3A_54] : memref<2x10240x128xf32, #tpu.memory_space<hbm>> -> memref<1x640x128xf32, #tpu.memory_space<hbm>>
      %dma_start3A_56 = tpu.memref_squeeze %dma_start3A_55 : memref<1x640x128xf32, #tpu.memory_space<hbm>> -> memref<640x128xf32, #tpu.memory_space<hbm>>
      %dma_start3A_57 = arith.constant 0 : i32
      %dma_start3A_58 = tpu.memref_slice %arg11[%mul3A_51, %dma_start3A_57] : memref<10240x128xf32, #tpu.memory_space<vmem_shared>> -> memref<640x128xf32, #tpu.memory_space<vmem_shared>>
      tpu.enqueue_dma source(%dma_start3A_58 : memref<640x128xf32, #tpu.memory_space<vmem_shared>>) target(%dma_start3A_56 : memref<640x128xf32, #tpu.memory_space<hbm>>) target_semaphore(%run_scoped3A : memref<!tpu.dma_semaphore, #tpu.memory_space<semaphore_mem>>)
      %dma_wait3A = arith.constant 0 : i32
      %dma_wait3A_59 = tpu.memref_slice %arg6[%arg0, %mul3A_53, %dma_wait3A] : memref<2x10240x128xf32, #tpu.memory_space<hbm>> -> memref<1x640x128xf32, #tpu.memory_space<hbm>>
      %dma_wait3A_60 = tpu.memref_squeeze %dma_wait3A_59 : memref<1x640x128xf32, #tpu.memory_space<hbm>> -> memref<640x128xf32, #tpu.memory_space<hbm>>
      %dma_wait3A_61 = arith.constant 0 : i32
      %dma_wait3A_62 = tpu.memref_slice %arg11[%mul3A_51, %dma_wait3A_61] : memref<10240x128xf32, #tpu.memory_space<vmem_shared>> -> memref<640x128xf32, #tpu.memory_space<vmem_shared>>
      tpu.wait_dma2 semaphore(%run_scoped3A : memref<!tpu.dma_semaphore, #tpu.memory_space<semaphore_mem>>) src(%dma_wait3A_62 : memref<640x128xf32, #tpu.memory_space<vmem_shared>>) dst(%dma_wait3A_60 : memref<640x128xf32, #tpu.memory_space<hbm>>)
      tpu.yield
    }) : () -> ()
    return
  }
}

#map = affine_map<(d0, d1) -> (0, 0)>
#map1 = affine_map<(d0, d1) -> (0, 0, 0)>
module attributes {stable_mosaic.version = 14 : i64} {
  func.func @_agg_body(%arg0: i32, %arg1: i32, %arg2: memref<10000x128xf32, #tpu.memory_space<hbm>>, %arg3: memref<32x80x128xi32, #tpu.memory_space<hbm>>, %arg4: memref<32x80x128xi32, #tpu.memory_space<hbm>>, %arg5: memref<640x128xf32, #tpu.memory_space<hbm>>, %arg6: memref<2x10240x128xf32, #tpu.memory_space<hbm>>, %arg7: memref<80x128xi32, #tpu.memory_space<vmem>>, %arg8: memref<2x128xi32, #tpu.memory_space<vmem>>, %arg9: memref<128x128xf32, #tpu.memory_space<vmem>>, %arg10: memref<128x128xf32, #tpu.memory_space<vmem>>, %arg11: memref<10240x128xf32, #tpu.memory_space<vmem_shared>>, %arg12: memref<!tpu.dma_semaphore, #tpu.memory_space<semaphore_mem>>, %arg13: memref<!tpu.dma_semaphore, #tpu.memory_space<semaphore_mem>>, %arg14: memref<!tpu.dma_semaphore, #tpu.memory_space<semaphore_mem>>, %arg15: memref<!tpu.dma_semaphore, #tpu.memory_space<semaphore_mem>>) attributes {dimension_semantics = [#tpu.dimension_semantics<core_parallel>, #tpu.dimension_semantics<subcore_parallel>], iteration_bounds = array<i64: 2, 16>, scalar_prefetch = 0 : i64, scratch_operands = 9 : i64, tpu.core_type = #tpu.core_type<sc_vector_subcore>, window_params = [{transform_indices = #map}, {transform_indices = #map1}, {transform_indices = #map1}, {transform_indices = #map}, {transform_indices = #map1}]} {
    %mul3A = arith.constant 2 : i32
    %mul3A_0 = arith.muli %arg1, %mul3A : i32
    %add3A = arith.addi %mul3A_0, %arg0 : i32
    "tpu.region"() ({
      %run_scoped3A = tpu.sem_alloc : memref<!tpu.dma_semaphore, #tpu.memory_space<semaphore_mem>>
      %dma_start3A_54 = arith.constant 0 : i32
      %dma_start3A_55 = arith.constant 0 : i32
      %dma_start3A_56 = tpu.memref_slice %arg3[%add3A, %dma_start3A_54, %dma_start3A_55] : memref<32x80x128xi32, #tpu.memory_space<hbm>> -> memref<1x80x128xi32, #tpu.memory_space<hbm>>
      %dma_start3A_57 = tpu.memref_squeeze %dma_start3A_56 : memref<1x80x128xi32, #tpu.memory_space<hbm>> -> memref<80x128xi32, #tpu.memory_space<hbm>>
      %dma_start3A_58 = arith.constant 0 : i32
      %dma_start3A_59 = arith.constant 0 : i32
      %dma_start3A_60 = tpu.memref_slice %arg3[%add3A, %dma_start3A_58, %dma_start3A_59] : memref<32x80x128xi32, #tpu.memory_space<hbm>> -> memref<1x80x128xi32, #tpu.memory_space<hbm>>
      %dma_start3A_61 = tpu.memref_squeeze %dma_start3A_60 : memref<1x80x128xi32, #tpu.memory_space<hbm>> -> memref<80x128xi32, #tpu.memory_space<hbm>>
      tpu.enqueue_dma source(%dma_start3A_61 : memref<80x128xi32, #tpu.memory_space<hbm>>) target(%arg7 : memref<80x128xi32, #tpu.memory_space<vmem>>) target_semaphore(%run_scoped3A : memref<!tpu.dma_semaphore, #tpu.memory_space<semaphore_mem>>)
      %dma_wait3A = arith.constant 0 : i32
      %dma_wait3A_62 = arith.constant 0 : i32
      %dma_wait3A_63 = tpu.memref_slice %arg3[%add3A, %dma_wait3A, %dma_wait3A_62] : memref<32x80x128xi32, #tpu.memory_space<hbm>> -> memref<1x80x128xi32, #tpu.memory_space<hbm>>
      %dma_wait3A_64 = tpu.memref_squeeze %dma_wait3A_63 : memref<1x80x128xi32, #tpu.memory_space<hbm>> -> memref<80x128xi32, #tpu.memory_space<hbm>>
      %dma_wait3A_65 = arith.constant 0 : i32
      %dma_wait3A_66 = arith.constant 0 : i32
      %dma_wait3A_67 = tpu.memref_slice %arg3[%add3A, %dma_wait3A_65, %dma_wait3A_66] : memref<32x80x128xi32, #tpu.memory_space<hbm>> -> memref<1x80x128xi32, #tpu.memory_space<hbm>>
      %dma_wait3A_68 = tpu.memref_squeeze %dma_wait3A_67 : memref<1x80x128xi32, #tpu.memory_space<hbm>> -> memref<80x128xi32, #tpu.memory_space<hbm>>
      tpu.wait_dma2 semaphore(%run_scoped3A : memref<!tpu.dma_semaphore, #tpu.memory_space<semaphore_mem>>) src(%dma_wait3A_68 : memref<80x128xi32, #tpu.memory_space<hbm>>) dst(%arg7 : memref<80x128xi32, #tpu.memory_space<vmem>>)
      tpu.yield
    }) : () -> ()
    %dma_start3A = arith.constant 0 : i32
    %dma_start3A_1 = arith.constant 0 : i32
    %dma_start3A_2 = arith.constant 0 : i32
    %dma_start3A_3 = tpu.memref_slice %arg8[%dma_start3A_1, %dma_start3A_2] : memref<2x128xi32, #tpu.memory_space<vmem>> -> memref<1x128xi32, #tpu.memory_space<vmem>>
    %dma_start3A_4 = tpu.memref_squeeze %dma_start3A_3 : memref<1x128xi32, #tpu.memory_space<vmem>> -> memref<128xi32, #tpu.memory_space<vmem>>
    %dma_start3A_5 = arith.constant 0 : i32
    %dma_start3A_6 = tpu.memref_slice %arg4[%add3A, %dma_start3A, %dma_start3A_5] : memref<32x80x128xi32, #tpu.memory_space<hbm>> -> memref<1x1x128xi32, #tpu.memory_space<hbm>>
    %dma_start3A_7 = tpu.memref_squeeze %dma_start3A_6 : memref<1x1x128xi32, #tpu.memory_space<hbm>> -> memref<128xi32, #tpu.memory_space<hbm>>
    %dma_start3A_8 = arith.constant 0 : i32
    %dma_start3A_9 = tpu.memref_slice %arg8[%dma_start3A_1, %dma_start3A_8] : memref<2x128xi32, #tpu.memory_space<vmem>> -> memref<1x128xi32, #tpu.memory_space<vmem>>
    %dma_start3A_10 = tpu.memref_squeeze %dma_start3A_9 : memref<1x128xi32, #tpu.memory_space<vmem>> -> memref<128xi32, #tpu.memory_space<vmem>>
    %dma_start3A_11 = arith.constant 0 : i32
    %dma_start3A_12 = tpu.memref_slice %arg4[%add3A, %dma_start3A, %dma_start3A_11] : memref<32x80x128xi32, #tpu.memory_space<hbm>> -> memref<1x1x128xi32, #tpu.memory_space<hbm>>
    %dma_start3A_13 = tpu.memref_squeeze %dma_start3A_12 : memref<1x1x128xi32, #tpu.memory_space<hbm>> -> memref<128xi32, #tpu.memory_space<hbm>>
    tpu.enqueue_dma source(%dma_start3A_13 : memref<128xi32, #tpu.memory_space<hbm>>) target(%dma_start3A_10 : memref<128xi32, #tpu.memory_space<vmem>>) target_semaphore(%arg14 : memref<!tpu.dma_semaphore, #tpu.memory_space<semaphore_mem>>)
    %dma_start3A_14 = arith.constant 1 : i32
    %dma_start3A_15 = arith.constant 1 : i32
    %dma_start3A_16 = arith.constant 0 : i32
    %dma_start3A_17 = tpu.memref_slice %arg8[%dma_start3A_15, %dma_start3A_16] : memref<2x128xi32, #tpu.memory_space<vmem>> -> memref<1x128xi32, #tpu.memory_space<vmem>>
    %dma_start3A_18 = tpu.memref_squeeze %dma_start3A_17 : memref<1x128xi32, #tpu.memory_space<vmem>> -> memref<128xi32, #tpu.memory_space<vmem>>
    %dma_start3A_19 = arith.constant 0 : i32
    %dma_start3A_20 = tpu.memref_slice %arg4[%add3A, %dma_start3A_14, %dma_start3A_19] : memref<32x80x128xi32, #tpu.memory_space<hbm>> -> memref<1x1x128xi32, #tpu.memory_space<hbm>>
    %dma_start3A_21 = tpu.memref_squeeze %dma_start3A_20 : memref<1x1x128xi32, #tpu.memory_space<hbm>> -> memref<128xi32, #tpu.memory_space<hbm>>
    %dma_start3A_22 = arith.constant 0 : i32
    %dma_start3A_23 = tpu.memref_slice %arg8[%dma_start3A_15, %dma_start3A_22] : memref<2x128xi32, #tpu.memory_space<vmem>> -> memref<1x128xi32, #tpu.memory_space<vmem>>
    %dma_start3A_24 = tpu.memref_squeeze %dma_start3A_23 : memref<1x128xi32, #tpu.memory_space<vmem>> -> memref<128xi32, #tpu.memory_space<vmem>>
    %dma_start3A_25 = arith.constant 0 : i32
    %dma_start3A_26 = tpu.memref_slice %arg4[%add3A, %dma_start3A_14, %dma_start3A_25] : memref<32x80x128xi32, #tpu.memory_space<hbm>> -> memref<1x1x128xi32, #tpu.memory_space<hbm>>
    %dma_start3A_27 = tpu.memref_squeeze %dma_start3A_26 : memref<1x1x128xi32, #tpu.memory_space<hbm>> -> memref<128xi32, #tpu.memory_space<hbm>>
    tpu.enqueue_dma source(%dma_start3A_27 : memref<128xi32, #tpu.memory_space<hbm>>) target(%dma_start3A_24 : memref<128xi32, #tpu.memory_space<vmem>>) target_semaphore(%arg15 : memref<!tpu.dma_semaphore, #tpu.memory_space<semaphore_mem>>)
    %dma_start3A_28 = arith.constant 0 : i32
    %dma_start3A_29 = arith.constant 0 : i32
    %dma_start3A_30 = tpu.memref_slice %arg7[%dma_start3A_28, %dma_start3A_29] : memref<80x128xi32, #tpu.memory_space<vmem>> -> memref<1x128xi32, #tpu.memory_space<vmem>>
    %dma_start3A_31 = tpu.memref_squeeze %dma_start3A_30 : memref<1x128xi32, #tpu.memory_space<vmem>> -> memref<128xi32, #tpu.memory_space<vmem>>
    %dma_start3A_32 = arith.constant 0 : i32
    %dma_start3A_33 = arith.constant 0 : i32
    %dma_start3A_34 = tpu.memref_slice %arg2[%dma_start3A_32, %dma_start3A_33] : memref<10000x128xf32, #tpu.memory_space<hbm>> -> memref<10000x128xf32, #tpu.memory_space<hbm>>
    tpu.enqueue_indirect_dma source(%dma_start3A_34 : memref<10000x128xf32, #tpu.memory_space<hbm>>) target(%arg9 : memref<128x128xf32, #tpu.memory_space<vmem>>) offsets(%dma_start3A_31 : memref<128xi32, #tpu.memory_space<vmem>>) semaphore(%arg12 : memref<!tpu.dma_semaphore, #tpu.memory_space<semaphore_mem>>)
    %dma_start3A_35 = arith.constant 1 : i32
    %dma_start3A_36 = arith.constant 0 : i32
    %dma_start3A_37 = tpu.memref_slice %arg7[%dma_start3A_35, %dma_start3A_36] : memref<80x128xi32, #tpu.memory_space<vmem>> -> memref<1x128xi32, #tpu.memory_space<vmem>>
    %dma_start3A_38 = tpu.memref_squeeze %dma_start3A_37 : memref<1x128xi32, #tpu.memory_space<vmem>> -> memref<128xi32, #tpu.memory_space<vmem>>
    %dma_start3A_39 = arith.constant 0 : i32
    %dma_start3A_40 = arith.constant 0 : i32
    %dma_start3A_41 = tpu.memref_slice %arg2[%dma_start3A_39, %dma_start3A_40] : memref<10000x128xf32, #tpu.memory_space<hbm>> -> memref<10000x128xf32, #tpu.memory_space<hbm>>
    tpu.enqueue_indirect_dma source(%dma_start3A_41 : memref<10000x128xf32, #tpu.memory_space<hbm>>) target(%arg10 : memref<128x128xf32, #tpu.memory_space<vmem>>) offsets(%dma_start3A_38 : memref<128xi32, #tpu.memory_space<vmem>>) semaphore(%arg13 : memref<!tpu.dma_semaphore, #tpu.memory_space<semaphore_mem>>)
    %mul3A_42 = arith.constant 640 : i32
    %mul3A_43 = arith.muli %arg1, %mul3A_42 : i32
    "tpu.region"() ({
      %run_scoped3A = tpu.sem_alloc : memref<!tpu.dma_semaphore, #tpu.memory_space<semaphore_mem>>
      %dma_start3A_54 = arith.constant 0 : i32
      %dma_start3A_55 = tpu.memref_slice %arg11[%mul3A_43, %dma_start3A_54] : memref<10240x128xf32, #tpu.memory_space<vmem_shared>> -> memref<640x128xf32, #tpu.memory_space<vmem_shared>>
      tpu.enqueue_dma source(%arg5 : memref<640x128xf32, #tpu.memory_space<hbm>>) target(%dma_start3A_55 : memref<640x128xf32, #tpu.memory_space<vmem_shared>>) target_semaphore(%run_scoped3A : memref<!tpu.dma_semaphore, #tpu.memory_space<semaphore_mem>>)
      %dma_wait3A = arith.constant 0 : i32
      %dma_wait3A_56 = tpu.memref_slice %arg11[%mul3A_43, %dma_wait3A] : memref<10240x128xf32, #tpu.memory_space<vmem_shared>> -> memref<640x128xf32, #tpu.memory_space<vmem_shared>>
      tpu.wait_dma2 semaphore(%run_scoped3A : memref<!tpu.dma_semaphore, #tpu.memory_space<semaphore_mem>>) src(%arg5 : memref<640x128xf32, #tpu.memory_space<hbm>>) dst(%dma_wait3A_56 : memref<640x128xf32, #tpu.memory_space<vmem_shared>>)
      tpu.yield
    }) : () -> ()
    %barrier3A = arith.constant 0 : index
    tpu.barrier barrier_id(%barrier3A)
    %scan3A = arith.constant 0 : i32
    %scan3A_44 = arith.constant 0 : i32
    %scan3A_45 = arith.constant 40 : i32
    %scan3A_46 = arith.addi %scan3A_44, %scan3A_45 : i32
    %scan3A_47 = arith.constant 1 : i32
    scf.for %scan3A_54 = %scan3A_44 to %scan3A_46 step %scan3A_47  : i32 {
      %mul3A_55 = arith.constant 2 : i32
      %mul3A_56 = arith.muli %mul3A_55, %scan3A_54 : i32
      %add3A_57 = arith.constant 0 : i32
      %add3A_58 = arith.addi %mul3A_56, %add3A_57 : i32
      %dma_wait3A = arith.constant 0 : i32
      %dma_wait3A_59 = tpu.memref_slice %arg7[%add3A_58, %dma_wait3A] : memref<80x128xi32, #tpu.memory_space<vmem>> -> memref<1x128xi32, #tpu.memory_space<vmem>>
      %dma_wait3A_60 = tpu.memref_squeeze %dma_wait3A_59 : memref<1x128xi32, #tpu.memory_space<vmem>> -> memref<128xi32, #tpu.memory_space<vmem>>
      %dma_wait3A_61 = arith.constant 0 : i32
      %dma_wait3A_62 = arith.constant 0 : i32
      %dma_wait3A_63 = tpu.memref_slice %arg2[%dma_wait3A_61, %dma_wait3A_62] : memref<10000x128xf32, #tpu.memory_space<hbm>> -> memref<10000x128xf32, #tpu.memory_space<hbm>>
      tpu.wait_indirect_dma semaphore(%arg12 : memref<!tpu.dma_semaphore, #tpu.memory_space<semaphore_mem>>) src(%dma_wait3A_63 : memref<10000x128xf32, #tpu.memory_space<hbm>>) dst(%arg9 : memref<128x128xf32, #tpu.memory_space<vmem>>)
      %dma_wait3A_64 = arith.constant 0 : i32
      %dma_wait3A_65 = arith.constant 0 : i32
      %dma_wait3A_66 = tpu.memref_slice %arg8[%dma_wait3A_64, %dma_wait3A_65] : memref<2x128xi32, #tpu.memory_space<vmem>> -> memref<1x128xi32, #tpu.memory_space<vmem>>
      %dma_wait3A_67 = tpu.memref_squeeze %dma_wait3A_66 : memref<1x128xi32, #tpu.memory_space<vmem>> -> memref<128xi32, #tpu.memory_space<vmem>>
      %dma_wait3A_68 = arith.constant 0 : i32
      %dma_wait3A_69 = tpu.memref_slice %arg4[%add3A, %add3A_58, %dma_wait3A_68] : memref<32x80x128xi32, #tpu.memory_space<hbm>> -> memref<1x1x128xi32, #tpu.memory_space<hbm>>
      %dma_wait3A_70 = tpu.memref_squeeze %dma_wait3A_69 : memref<1x1x128xi32, #tpu.memory_space<hbm>> -> memref<128xi32, #tpu.memory_space<hbm>>
      %dma_wait3A_71 = arith.constant 0 : i32
      %dma_wait3A_72 = tpu.memref_slice %arg8[%dma_wait3A_64, %dma_wait3A_71] : memref<2x128xi32, #tpu.memory_space<vmem>> -> memref<1x128xi32, #tpu.memory_space<vmem>>
      %dma_wait3A_73 = tpu.memref_squeeze %dma_wait3A_72 : memref<1x128xi32, #tpu.memory_space<vmem>> -> memref<128xi32, #tpu.memory_space<vmem>>
      %dma_wait3A_74 = arith.constant 0 : i32
      %dma_wait3A_75 = tpu.memref_slice %arg4[%add3A, %add3A_58, %dma_wait3A_74] : memref<32x80x128xi32, #tpu.memory_space<hbm>> -> memref<1x1x128xi32, #tpu.memory_space<hbm>>
      %dma_wait3A_76 = tpu.memref_squeeze %dma_wait3A_75 : memref<1x1x128xi32, #tpu.memory_space<hbm>> -> memref<128xi32, #tpu.memory_space<hbm>>
      tpu.wait_dma2 semaphore(%arg14 : memref<!tpu.dma_semaphore, #tpu.memory_space<semaphore_mem>>) src(%dma_wait3A_76 : memref<128xi32, #tpu.memory_space<hbm>>) dst(%dma_wait3A_73 : memref<128xi32, #tpu.memory_space<vmem>>)
      %run_scoped3A = arith.constant 0 : i32
      "tpu.region"() ({
        %run_scoped3A_110 = tpu.sem_alloc : memref<!tpu.dma_semaphore, #tpu.memory_space<semaphore_mem>>
        %dma_start3A_111 = arith.constant 0 : i32
        %dma_start3A_112 = tpu.memref_slice %arg8[%run_scoped3A, %dma_start3A_111] : memref<2x128xi32, #tpu.memory_space<vmem>> -> memref<1x128xi32, #tpu.memory_space<vmem>>
        %dma_start3A_113 = tpu.memref_squeeze %dma_start3A_112 : memref<1x128xi32, #tpu.memory_space<vmem>> -> memref<128xi32, #tpu.memory_space<vmem>>
        %dma_start3A_114 = arith.constant 0 : i32
        %dma_start3A_115 = arith.constant 0 : i32
        %dma_start3A_116 = tpu.memref_slice %arg11[%dma_start3A_114, %dma_start3A_115] : memref<10240x128xf32, #tpu.memory_space<vmem_shared>> -> memref<10240x128xf32, #tpu.memory_space<vmem_shared>>
        tpu.enqueue_indirect_dma source(%arg9 : memref<128x128xf32, #tpu.memory_space<vmem>>) target(%dma_start3A_116 : memref<10240x128xf32, #tpu.memory_space<vmem_shared>>) offsets(%dma_start3A_113 : memref<128xi32, #tpu.memory_space<vmem>>) semaphore(%run_scoped3A_110 : memref<!tpu.dma_semaphore, #tpu.memory_space<semaphore_mem>>) {add = true}
        %dma_wait3A_117 = arith.constant 0 : i32
        %dma_wait3A_118 = tpu.memref_slice %arg8[%run_scoped3A, %dma_wait3A_117] : memref<2x128xi32, #tpu.memory_space<vmem>> -> memref<1x128xi32, #tpu.memory_space<vmem>>
        %dma_wait3A_119 = tpu.memref_squeeze %dma_wait3A_118 : memref<1x128xi32, #tpu.memory_space<vmem>> -> memref<128xi32, #tpu.memory_space<vmem>>
        %dma_wait3A_120 = arith.constant 0 : i32
        %dma_wait3A_121 = arith.constant 0 : i32
        %dma_wait3A_122 = tpu.memref_slice %arg11[%dma_wait3A_120, %dma_wait3A_121] : memref<10240x128xf32, #tpu.memory_space<vmem_shared>> -> memref<10240x128xf32, #tpu.memory_space<vmem_shared>>
        tpu.wait_indirect_dma semaphore(%run_scoped3A_110 : memref<!tpu.dma_semaphore, #tpu.memory_space<semaphore_mem>>) src(%arg9 : memref<128x128xf32, #tpu.memory_space<vmem>>) dst(%dma_wait3A_122 : memref<10240x128xf32, #tpu.memory_space<vmem_shared>>)
        tpu.yield
      }) : () -> ()
      %add3A_77 = arith.constant 2 : i32
      %add3A_78 = arith.addi %add3A_58, %add3A_77 : i32
      %lt3A = arith.constant 80 : i32
      %lt3A_79 = arith.cmpi slt, %add3A_78, %lt3A : i32
      %convert_element_type3A = arith.extui %lt3A_79 : i1 to i32
      %cond3A = arith.constant 0 : i32
      %cond3A_80 = arith.cmpi ne, %convert_element_type3A, %cond3A : i32
      scf.if %cond3A_80 {
        %add3A_110 = arith.constant 2 : i32
        %add3A_111 = arith.addi %add3A_58, %add3A_110 : i32
        %dma_start3A_112 = arith.constant 0 : i32
        %dma_start3A_113 = arith.constant 0 : i32
        %dma_start3A_114 = tpu.memref_slice %arg8[%dma_start3A_112, %dma_start3A_113] : memref<2x128xi32, #tpu.memory_space<vmem>> -> memref<1x128xi32, #tpu.memory_space<vmem>>
        %dma_start3A_115 = tpu.memref_squeeze %dma_start3A_114 : memref<1x128xi32, #tpu.memory_space<vmem>> -> memref<128xi32, #tpu.memory_space<vmem>>
        %dma_start3A_116 = arith.constant 0 : i32
        %dma_start3A_117 = tpu.memref_slice %arg4[%add3A, %add3A_111, %dma_start3A_116] : memref<32x80x128xi32, #tpu.memory_space<hbm>> -> memref<1x1x128xi32, #tpu.memory_space<hbm>>
        %dma_start3A_118 = tpu.memref_squeeze %dma_start3A_117 : memref<1x1x128xi32, #tpu.memory_space<hbm>> -> memref<128xi32, #tpu.memory_space<hbm>>
        %dma_start3A_119 = arith.constant 0 : i32
        %dma_start3A_120 = tpu.memref_slice %arg8[%dma_start3A_112, %dma_start3A_119] : memref<2x128xi32, #tpu.memory_space<vmem>> -> memref<1x128xi32, #tpu.memory_space<vmem>>
        %dma_start3A_121 = tpu.memref_squeeze %dma_start3A_120 : memref<1x128xi32, #tpu.memory_space<vmem>> -> memref<128xi32, #tpu.memory_space<vmem>>
        %dma_start3A_122 = arith.constant 0 : i32
        %dma_start3A_123 = tpu.memref_slice %arg4[%add3A, %add3A_111, %dma_start3A_122] : memref<32x80x128xi32, #tpu.memory_space<hbm>> -> memref<1x1x128xi32, #tpu.memory_space<hbm>>
        %dma_start3A_124 = tpu.memref_squeeze %dma_start3A_123 : memref<1x1x128xi32, #tpu.memory_space<hbm>> -> memref<128xi32, #tpu.memory_space<hbm>>
        tpu.enqueue_dma source(%dma_start3A_124 : memref<128xi32, #tpu.memory_space<hbm>>) target(%dma_start3A_121 : memref<128xi32, #tpu.memory_space<vmem>>) target_semaphore(%arg14 : memref<!tpu.dma_semaphore, #tpu.memory_space<semaphore_mem>>)
        %add3A_125 = arith.constant 2 : i32
        %add3A_126 = arith.addi %add3A_58, %add3A_125 : i32
        %dma_start3A_127 = arith.constant 0 : i32
        %dma_start3A_128 = tpu.memref_slice %arg7[%add3A_126, %dma_start3A_127] : memref<80x128xi32, #tpu.memory_space<vmem>> -> memref<1x128xi32, #tpu.memory_space<vmem>>
        %dma_start3A_129 = tpu.memref_squeeze %dma_start3A_128 : memref<1x128xi32, #tpu.memory_space<vmem>> -> memref<128xi32, #tpu.memory_space<vmem>>
        %dma_start3A_130 = arith.constant 0 : i32
        %dma_start3A_131 = arith.constant 0 : i32
        %dma_start3A_132 = tpu.memref_slice %arg2[%dma_start3A_130, %dma_start3A_131] : memref<10000x128xf32, #tpu.memory_space<hbm>> -> memref<10000x128xf32, #tpu.memory_space<hbm>>
        tpu.enqueue_indirect_dma source(%dma_start3A_132 : memref<10000x128xf32, #tpu.memory_space<hbm>>) target(%arg9 : memref<128x128xf32, #tpu.memory_space<vmem>>) offsets(%dma_start3A_129 : memref<128xi32, #tpu.memory_space<vmem>>) semaphore(%arg12 : memref<!tpu.dma_semaphore, #tpu.memory_space<semaphore_mem>>)
      } else {
      }
      %add3A_81 = arith.constant 1 : i32
      %add3A_82 = arith.addi %mul3A_56, %add3A_81 : i32
      %dma_wait3A_83 = arith.constant 0 : i32
      %dma_wait3A_84 = tpu.memref_slice %arg7[%add3A_82, %dma_wait3A_83] : memref<80x128xi32, #tpu.memory_space<vmem>> -> memref<1x128xi32, #tpu.memory_space<vmem>>
      %dma_wait3A_85 = tpu.memref_squeeze %dma_wait3A_84 : memref<1x128xi32, #tpu.memory_space<vmem>> -> memref<128xi32, #tpu.memory_space<vmem>>
      %dma_wait3A_86 = arith.constant 0 : i32
      %dma_wait3A_87 = arith.constant 0 : i32
      %dma_wait3A_88 = tpu.memref_slice %arg2[%dma_wait3A_86, %dma_wait3A_87] : memref<10000x128xf32, #tpu.memory_space<hbm>> -> memref<10000x128xf32, #tpu.memory_space<hbm>>
      tpu.wait_indirect_dma semaphore(%arg13 : memref<!tpu.dma_semaphore, #tpu.memory_space<semaphore_mem>>) src(%dma_wait3A_88 : memref<10000x128xf32, #tpu.memory_space<hbm>>) dst(%arg10 : memref<128x128xf32, #tpu.memory_space<vmem>>)
      %dma_wait3A_89 = arith.constant 1 : i32
      %dma_wait3A_90 = arith.constant 0 : i32
      %dma_wait3A_91 = tpu.memref_slice %arg8[%dma_wait3A_89, %dma_wait3A_90] : memref<2x128xi32, #tpu.memory_space<vmem>> -> memref<1x128xi32, #tpu.memory_space<vmem>>
      %dma_wait3A_92 = tpu.memref_squeeze %dma_wait3A_91 : memref<1x128xi32, #tpu.memory_space<vmem>> -> memref<128xi32, #tpu.memory_space<vmem>>
      %dma_wait3A_93 = arith.constant 0 : i32
      %dma_wait3A_94 = tpu.memref_slice %arg4[%add3A, %add3A_82, %dma_wait3A_93] : memref<32x80x128xi32, #tpu.memory_space<hbm>> -> memref<1x1x128xi32, #tpu.memory_space<hbm>>
      %dma_wait3A_95 = tpu.memref_squeeze %dma_wait3A_94 : memref<1x1x128xi32, #tpu.memory_space<hbm>> -> memref<128xi32, #tpu.memory_space<hbm>>
      %dma_wait3A_96 = arith.constant 0 : i32
      %dma_wait3A_97 = tpu.memref_slice %arg8[%dma_wait3A_89, %dma_wait3A_96] : memref<2x128xi32, #tpu.memory_space<vmem>> -> memref<1x128xi32, #tpu.memory_space<vmem>>
      %dma_wait3A_98 = tpu.memref_squeeze %dma_wait3A_97 : memref<1x128xi32, #tpu.memory_space<vmem>> -> memref<128xi32, #tpu.memory_space<vmem>>
      %dma_wait3A_99 = arith.constant 0 : i32
      %dma_wait3A_100 = tpu.memref_slice %arg4[%add3A, %add3A_82, %dma_wait3A_99] : memref<32x80x128xi32, #tpu.memory_space<hbm>> -> memref<1x1x128xi32, #tpu.memory_space<hbm>>
      %dma_wait3A_101 = tpu.memref_squeeze %dma_wait3A_100 : memref<1x1x128xi32, #tpu.memory_space<hbm>> -> memref<128xi32, #tpu.memory_space<hbm>>
      tpu.wait_dma2 semaphore(%arg15 : memref<!tpu.dma_semaphore, #tpu.memory_space<semaphore_mem>>) src(%dma_wait3A_101 : memref<128xi32, #tpu.memory_space<hbm>>) dst(%dma_wait3A_98 : memref<128xi32, #tpu.memory_space<vmem>>)
      %run_scoped3A_102 = arith.constant 1 : i32
      "tpu.region"() ({
        %run_scoped3A_110 = tpu.sem_alloc : memref<!tpu.dma_semaphore, #tpu.memory_space<semaphore_mem>>
        %dma_start3A_111 = arith.constant 0 : i32
        %dma_start3A_112 = tpu.memref_slice %arg8[%run_scoped3A_102, %dma_start3A_111] : memref<2x128xi32, #tpu.memory_space<vmem>> -> memref<1x128xi32, #tpu.memory_space<vmem>>
        %dma_start3A_113 = tpu.memref_squeeze %dma_start3A_112 : memref<1x128xi32, #tpu.memory_space<vmem>> -> memref<128xi32, #tpu.memory_space<vmem>>
        %dma_start3A_114 = arith.constant 0 : i32
        %dma_start3A_115 = arith.constant 0 : i32
        %dma_start3A_116 = tpu.memref_slice %arg11[%dma_start3A_114, %dma_start3A_115] : memref<10240x128xf32, #tpu.memory_space<vmem_shared>> -> memref<10240x128xf32, #tpu.memory_space<vmem_shared>>
        tpu.enqueue_indirect_dma source(%arg10 : memref<128x128xf32, #tpu.memory_space<vmem>>) target(%dma_start3A_116 : memref<10240x128xf32, #tpu.memory_space<vmem_shared>>) offsets(%dma_start3A_113 : memref<128xi32, #tpu.memory_space<vmem>>) semaphore(%run_scoped3A_110 : memref<!tpu.dma_semaphore, #tpu.memory_space<semaphore_mem>>) {add = true}
        %dma_wait3A_117 = arith.constant 0 : i32
        %dma_wait3A_118 = tpu.memref_slice %arg8[%run_scoped3A_102, %dma_wait3A_117] : memref<2x128xi32, #tpu.memory_space<vmem>> -> memref<1x128xi32, #tpu.memory_space<vmem>>
        %dma_wait3A_119 = tpu.memref_squeeze %dma_wait3A_118 : memref<1x128xi32, #tpu.memory_space<vmem>> -> memref<128xi32, #tpu.memory_space<vmem>>
        %dma_wait3A_120 = arith.constant 0 : i32
        %dma_wait3A_121 = arith.constant 0 : i32
        %dma_wait3A_122 = tpu.memref_slice %arg11[%dma_wait3A_120, %dma_wait3A_121] : memref<10240x128xf32, #tpu.memory_space<vmem_shared>> -> memref<10240x128xf32, #tpu.memory_space<vmem_shared>>
        tpu.wait_indirect_dma semaphore(%run_scoped3A_110 : memref<!tpu.dma_semaphore, #tpu.memory_space<semaphore_mem>>) src(%arg10 : memref<128x128xf32, #tpu.memory_space<vmem>>) dst(%dma_wait3A_122 : memref<10240x128xf32, #tpu.memory_space<vmem_shared>>)
        tpu.yield
      }) : () -> ()
      %add3A_103 = arith.constant 2 : i32
      %add3A_104 = arith.addi %add3A_82, %add3A_103 : i32
      %lt3A_105 = arith.constant 80 : i32
      %lt3A_106 = arith.cmpi slt, %add3A_104, %lt3A_105 : i32
      %convert_element_type3A_107 = arith.extui %lt3A_106 : i1 to i32
      %cond3A_108 = arith.constant 0 : i32
      %cond3A_109 = arith.cmpi ne, %convert_element_type3A_107, %cond3A_108 : i32
      scf.if %cond3A_109 {
        %add3A_110 = arith.constant 2 : i32
        %add3A_111 = arith.addi %add3A_82, %add3A_110 : i32
        %dma_start3A_112 = arith.constant 1 : i32
        %dma_start3A_113 = arith.constant 0 : i32
        %dma_start3A_114 = tpu.memref_slice %arg8[%dma_start3A_112, %dma_start3A_113] : memref<2x128xi32, #tpu.memory_space<vmem>> -> memref<1x128xi32, #tpu.memory_space<vmem>>
        %dma_start3A_115 = tpu.memref_squeeze %dma_start3A_114 : memref<1x128xi32, #tpu.memory_space<vmem>> -> memref<128xi32, #tpu.memory_space<vmem>>
        %dma_start3A_116 = arith.constant 0 : i32
        %dma_start3A_117 = tpu.memref_slice %arg4[%add3A, %add3A_111, %dma_start3A_116] : memref<32x80x128xi32, #tpu.memory_space<hbm>> -> memref<1x1x128xi32, #tpu.memory_space<hbm>>
        %dma_start3A_118 = tpu.memref_squeeze %dma_start3A_117 : memref<1x1x128xi32, #tpu.memory_space<hbm>> -> memref<128xi32, #tpu.memory_space<hbm>>
        %dma_start3A_119 = arith.constant 0 : i32
        %dma_start3A_120 = tpu.memref_slice %arg8[%dma_start3A_112, %dma_start3A_119] : memref<2x128xi32, #tpu.memory_space<vmem>> -> memref<1x128xi32, #tpu.memory_space<vmem>>
        %dma_start3A_121 = tpu.memref_squeeze %dma_start3A_120 : memref<1x128xi32, #tpu.memory_space<vmem>> -> memref<128xi32, #tpu.memory_space<vmem>>
        %dma_start3A_122 = arith.constant 0 : i32
        %dma_start3A_123 = tpu.memref_slice %arg4[%add3A, %add3A_111, %dma_start3A_122] : memref<32x80x128xi32, #tpu.memory_space<hbm>> -> memref<1x1x128xi32, #tpu.memory_space<hbm>>
        %dma_start3A_124 = tpu.memref_squeeze %dma_start3A_123 : memref<1x1x128xi32, #tpu.memory_space<hbm>> -> memref<128xi32, #tpu.memory_space<hbm>>
        tpu.enqueue_dma source(%dma_start3A_124 : memref<128xi32, #tpu.memory_space<hbm>>) target(%dma_start3A_121 : memref<128xi32, #tpu.memory_space<vmem>>) target_semaphore(%arg15 : memref<!tpu.dma_semaphore, #tpu.memory_space<semaphore_mem>>)
        %add3A_125 = arith.constant 2 : i32
        %add3A_126 = arith.addi %add3A_82, %add3A_125 : i32
        %dma_start3A_127 = arith.constant 0 : i32
        %dma_start3A_128 = tpu.memref_slice %arg7[%add3A_126, %dma_start3A_127] : memref<80x128xi32, #tpu.memory_space<vmem>> -> memref<1x128xi32, #tpu.memory_space<vmem>>
        %dma_start3A_129 = tpu.memref_squeeze %dma_start3A_128 : memref<1x128xi32, #tpu.memory_space<vmem>> -> memref<128xi32, #tpu.memory_space<vmem>>
        %dma_start3A_130 = arith.constant 0 : i32
        %dma_start3A_131 = arith.constant 0 : i32
        %dma_start3A_132 = tpu.memref_slice %arg2[%dma_start3A_130, %dma_start3A_131] : memref<10000x128xf32, #tpu.memory_space<hbm>> -> memref<10000x128xf32, #tpu.memory_space<hbm>>
        tpu.enqueue_indirect_dma source(%dma_start3A_132 : memref<10000x128xf32, #tpu.memory_space<hbm>>) target(%arg10 : memref<128x128xf32, #tpu.memory_space<vmem>>) offsets(%dma_start3A_129 : memref<128xi32, #tpu.memory_space<vmem>>) semaphore(%arg13 : memref<!tpu.dma_semaphore, #tpu.memory_space<semaphore_mem>>)
      } else {
      }
    }
    %scan3A_48 = arith.constant 40 : i32
    %barrier3A_49 = arith.constant 0 : index
    tpu.barrier barrier_id(%barrier3A_49)
    %mul3A_50 = arith.constant 640 : i32
    %mul3A_51 = arith.muli %arg1, %mul3A_50 : i32
    %mul3A_52 = arith.constant 640 : i32
    %mul3A_53 = arith.muli %arg1, %mul3A_52 : i32
    "tpu.region"() ({
      %run_scoped3A = tpu.sem_alloc : memref<!tpu.dma_semaphore, #tpu.memory_space<semaphore_mem>>
      %dma_start3A_54 = arith.constant 0 : i32
      %dma_start3A_55 = tpu.memref_slice %arg6[%arg0, %mul3A_53, %dma_start3A_54] : memref<2x10240x128xf32, #tpu.memory_space<hbm>> -> memref<1x640x128xf32, #tpu.memory_space<hbm>>
      %dma_start3A_56 = tpu.memref_squeeze %dma_start3A_55 : memref<1x640x128xf32, #tpu.memory_space<hbm>> -> memref<640x128xf32, #tpu.memory_space<hbm>>
      %dma_start3A_57 = arith.constant 0 : i32
      %dma_start3A_58 = tpu.memref_slice %arg11[%mul3A_51, %dma_start3A_57] : memref<10240x128xf32, #tpu.memory_space<vmem_shared>> -> memref<640x128xf32, #tpu.memory_space<vmem_shared>>
      tpu.enqueue_dma source(%dma_start3A_58 : memref<640x128xf32, #tpu.memory_space<vmem_shared>>) target(%dma_start3A_56 : memref<640x128xf32, #tpu.memory_space<hbm>>) target_semaphore(%run_scoped3A : memref<!tpu.dma_semaphore, #tpu.memory_space<semaphore_mem>>)
      %dma_wait3A = arith.constant 0 : i32
      %dma_wait3A_59 = tpu.memref_slice %arg6[%arg0, %mul3A_53, %dma_wait3A] : memref<2x10240x128xf32, #tpu.memory_space<hbm>> -> memref<1x640x128xf32, #tpu.memory_space<hbm>>
      %dma_wait3A_60 = tpu.memref_squeeze %dma_wait3A_59 : memref<1x640x128xf32, #tpu.memory_space<hbm>> -> memref<640x128xf32, #tpu.memory_space<hbm>>
      %dma_wait3A_61 = arith.constant 0 : i32
      %dma_wait3A_62 = tpu.memref_slice %arg11[%mul3A_51, %dma_wait3A_61] : memref<10240x128xf32, #tpu.memory_space<vmem_shared>> -> memref<640x128xf32, #tpu.memory_space<vmem_shared>>
      tpu.wait_dma2 semaphore(%run_scoped3A : memref<!tpu.dma_semaphore, #tpu.memory_space<semaphore_mem>>) src(%dma_wait3A_62 : memref<640x128xf32, #tpu.memory_space<vmem_shared>>) dst(%dma_wait3A_60 : memref<640x128xf32, #tpu.memory_space<hbm>>)
      tpu.yield
    }) : () -> ()
    return
  }
}

module attributes {stable_mosaic.version = 14 : i64} {
  func.func @_tc1_body(%arg0: i32, %arg1: memref<1000x128xf32, #tpu.memory_space<vmem>>, %arg2: memref<128x128xf32, #tpu.memory_space<vmem>>, %arg3: memref<1000x2xf32, #tpu.memory_space<vmem>>, %arg4: memref<1000x128xf32, #tpu.memory_space<vmem>>) attributes {dimension_semantics = [#tpu.dimension_semantics<arbitrary>], iteration_bounds = array<i64: 10>, scalar_prefetch = 0 : i64, scratch_operands = 0 : i64, tpu.core_type = #tpu.core_type<tc>, window_params = [{transform_indices = @transform_0, window_bounds = array<i64: 1000, 128>}, {pipeline_mode = #tpu.pipeline_mode<synchronous>, transform_indices = @transform_1, window_bounds = array<i64: 128, 128>}, {transform_indices = @transform_2, window_bounds = array<i64: 1000, 2>}, {transform_indices = @transform_3, window_bounds = array<i64: 1000, 128>}]} {
    %get3A = arith.constant 0 : index
    %get3A_0 = arith.constant 0 : index
    %get3A_1 = vector.load %arg1[%get3A, %get3A_0] : memref<1000x128xf32, #tpu.memory_space<vmem>>, vector<1000x128xf32>
    %get3A_2 = arith.constant 0 : index
    %get3A_3 = arith.constant 0 : index
    %get3A_4 = vector.load %arg2[%get3A_2, %get3A_3] : memref<128x128xf32, #tpu.memory_space<vmem>>, vector<128x128xf32>
    %dot_general3A = arith.constant dense<0.000000e+00> : vector<1000x128xf32>
    %dot_general3A_5 = tpu.matmul %get3A_1, %get3A_4, %dot_general3A {dimension_numbers = #tpu.dot_dimension_numbers<[1], [0], [0], [1], [0, 0, 1, 1], [], []>, transpose_lhs_hint = false} : vector<1000x128xf32>, vector<128x128xf32>, vector<1000x128xf32> -> vector<1000x128xf32>
    %get3A_6 = arith.constant 0 : index
    %get3A_7 = arith.constant 0 : index
    %get3A_8 = vector.load %arg3[%get3A_6, %get3A_7] : memref<1000x2xf32, #tpu.memory_space<vmem>>, vector<1000x2xf32>
    %slice3A = vector.extract_strided_slice %get3A_8 {offsets = [0, 0], sizes = [1000, 1], strides = [1, 1]} : vector<1000x2xf32> to vector<1000x1xf32>
    %squeeze3A = vector.shape_cast %slice3A : vector<1000x1xf32> to vector<1000xf32>
    %slice3A_9 = vector.extract_strided_slice %get3A_8 {offsets = [0, 1], sizes = [1000, 1], strides = [1, 1]} : vector<1000x2xf32> to vector<1000x1xf32>
    %squeeze3A_10 = vector.shape_cast %slice3A_9 : vector<1000x1xf32> to vector<1000xf32>
    %add3A = arith.addf %squeeze3A, %squeeze3A_10 : vector<1000xf32>
    %add3A_11 = arith.constant 1.000000e+00 : f32
    %add3A_12 = vector.broadcast %add3A_11 : f32 to vector<1000xf32>
    %add3A_13 = arith.addf %add3A, %add3A_12 : vector<1000xf32>
    %rsqrt3A = math.rsqrt %add3A_13 : vector<1000xf32>
    %broadcast_in_dim3A = vector.shape_cast %rsqrt3A : vector<1000xf32> to vector<1000x1xf32>
    %mul3A = vector.broadcast %broadcast_in_dim3A : vector<1000x1xf32> to vector<1000x128xf32>
    %mul3A_14 = arith.mulf %dot_general3A_5, %mul3A : vector<1000x128xf32>
    %swap3A = arith.constant 0 : index
    %swap3A_15 = arith.constant 0 : index
    %swap3A_16 = vector.load %arg4[%swap3A, %swap3A_15] : memref<1000x128xf32, #tpu.memory_space<vmem>>, vector<1000x128xf32>
    tpu.vector_store %arg4[%swap3A, %swap3A_15], %mul3A_14 {strides = array<i32>} : memref<1000x128xf32, #tpu.memory_space<vmem>>, vector<1000x128xf32>,
    return
  }
  func.func @transform_0(%arg0: i32) -> (i32, i32) {
    %c0_i32 = arith.constant 0 : i32
    %c0_i32_0 = arith.constant 0 : i32
    return %arg0, %c0_i32 : i32, i32
  }
  func.func @transform_1(%arg0: i32) -> (i32, i32) {
    %c0_i32 = arith.constant 0 : i32
    %c0_i32_0 = arith.constant 0 : i32
    %c0_i32_1 = arith.constant 0 : i32
    return %c0_i32, %c0_i32_0 : i32, i32
  }
  func.func @transform_2(%arg0: i32) -> (i32, i32) {
    %c0_i32 = arith.constant 0 : i32
    %c0_i32_0 = arith.constant 0 : i32
    return %arg0, %c0_i32 : i32, i32
  }
  func.func @transform_3(%arg0: i32) -> (i32, i32) {
    %c0_i32 = arith.constant 0 : i32
    %c0_i32_0 = arith.constant 0 : i32
    return %arg0, %c0_i32 : i32, i32
  }
}

module attributes {stable_mosaic.version = 14 : i64} {
  func.func @_tc2_body(%arg0: i32, %arg1: memref<2x1000x128xf32, #tpu.memory_space<vmem>>, %arg2: memref<1000x128xf32, #tpu.memory_space<vmem>>, %arg3: memref<1x128xf32, #tpu.memory_space<vmem>>, %arg4: memref<128x128xf32, #tpu.memory_space<vmem>>, %arg5: memref<1000x2xf32, #tpu.memory_space<vmem>>, %arg6: memref<1000x128xf32, #tpu.memory_space<vmem>>) attributes {dimension_semantics = [#tpu.dimension_semantics<arbitrary>], iteration_bounds = array<i64: 10>, scalar_prefetch = 0 : i64, scratch_operands = 0 : i64, tpu.core_type = #tpu.core_type<tc>, window_params = [{transform_indices = @transform_0, window_bounds = array<i64: 2, 1000, 128>}, {transform_indices = @transform_1, window_bounds = array<i64: 1000, 128>}, {pipeline_mode = #tpu.pipeline_mode<synchronous>, transform_indices = @transform_2, window_bounds = array<i64: 1, 128>}, {pipeline_mode = #tpu.pipeline_mode<synchronous>, transform_indices = @transform_3, window_bounds = array<i64: 128, 128>}, {transform_indices = @transform_4, window_bounds = array<i64: 1000, 2>}, {transform_indices = @transform_5, window_bounds = array<i64: 1000, 128>}]} {
    %get3A = arith.constant 0 : index
    %get3A_0 = arith.constant 0 : index
    %get3A_1 = vector.load %arg5[%get3A, %get3A_0] : memref<1000x2xf32, #tpu.memory_space<vmem>>, vector<1000x2xf32>
    %slice3A = vector.extract_strided_slice %get3A_1 {offsets = [0, 0], sizes = [1000, 1], strides = [1, 1]} : vector<1000x2xf32> to vector<1000x1xf32>
    %squeeze3A = vector.shape_cast %slice3A : vector<1000x1xf32> to vector<1000xf32>
    %slice3A_2 = vector.extract_strided_slice %get3A_1 {offsets = [0, 1], sizes = [1000, 1], strides = [1, 1]} : vector<1000x2xf32> to vector<1000x1xf32>
    %squeeze3A_3 = vector.shape_cast %slice3A_2 : vector<1000x1xf32> to vector<1000xf32>
    %add3A = arith.addf %squeeze3A, %squeeze3A_3 : vector<1000xf32>
    %add3A_4 = arith.constant 1.000000e+00 : f32
    %add3A_5 = vector.broadcast %add3A_4 : f32 to vector<1000xf32>
    %add3A_6 = arith.addf %add3A, %add3A_5 : vector<1000xf32>
    %rsqrt3A = math.rsqrt %add3A_6 : vector<1000xf32>
    %broadcast_in_dim3A = vector.shape_cast %rsqrt3A : vector<1000xf32> to vector<1000x1xf32>
    %get3A_7 = arith.constant 0 : index
    %get3A_8 = arith.constant 0 : index
    %get3A_9 = arith.constant 0 : index
    %get3A_10 = vector.load %arg1[%get3A_7, %get3A_8, %get3A_9] : memref<2x1000x128xf32, #tpu.memory_space<vmem>>, vector<2x1000x128xf32>
    %slice3A_11 = vector.extract_strided_slice %get3A_10 {offsets = [0, 0, 0], sizes = [1, 1000, 128], strides = [1, 1, 1]} : vector<2x1000x128xf32> to vector<1x1000x128xf32>
    %squeeze3A_12 = vector.shape_cast %slice3A_11 : vector<1x1000x128xf32> to vector<1000x128xf32>
    %slice3A_13 = vector.extract_strided_slice %get3A_10 {offsets = [1, 0, 0], sizes = [1, 1000, 128], strides = [1, 1, 1]} : vector<2x1000x128xf32> to vector<1x1000x128xf32>
    %squeeze3A_14 = vector.shape_cast %slice3A_13 : vector<1x1000x128xf32> to vector<1000x128xf32>
    %add3A_15 = arith.addf %squeeze3A_12, %squeeze3A_14 : vector<1000x128xf32>
    %get3A_16 = arith.constant 0 : index
    %get3A_17 = arith.constant 0 : index
    %get3A_18 = vector.load %arg2[%get3A_16, %get3A_17] : memref<1000x128xf32, #tpu.memory_space<vmem>>, vector<1000x128xf32>
    %add3A_19 = arith.addf %add3A_15, %get3A_18 : vector<1000x128xf32>
    %mul3A = vector.broadcast %broadcast_in_dim3A : vector<1000x1xf32> to vector<1000x128xf32>
    %mul3A_20 = arith.mulf %add3A_19, %mul3A : vector<1000x128xf32>
    %get3A_21 = arith.constant 0 : index
    %get3A_22 = arith.constant 0 : index
    %get3A_23 = vector.load %arg3[%get3A_21, %get3A_22] : memref<1x128xf32, #tpu.memory_space<vmem>>, vector<1x128xf32>
    %add3A_24 = vector.broadcast %get3A_23 : vector<1x128xf32> to vector<1000x128xf32>
    %add3A_25 = arith.addf %mul3A_20, %add3A_24 : vector<1000x128xf32>
    %max3A = arith.constant 0.000000e+00 : f32
    %max3A_26 = vector.broadcast %max3A : f32 to vector<1000x128xf32>
    %max3A_27 = arith.maximumf %add3A_25, %max3A_26 : vector<1000x128xf32>
    %get3A_28 = arith.constant 0 : index
    %get3A_29 = arith.constant 0 : index
    %get3A_30 = vector.load %arg4[%get3A_28, %get3A_29] : memref<128x128xf32, #tpu.memory_space<vmem>>, vector<128x128xf32>
    %dot_general3A = arith.constant dense<0.000000e+00> : vector<1000x128xf32>
    %dot_general3A_31 = tpu.matmul %max3A_27, %get3A_30, %dot_general3A {dimension_numbers = #tpu.dot_dimension_numbers<[1], [0], [0], [1], [0, 0, 1, 1], [], []>, transpose_lhs_hint = false} : vector<1000x128xf32>, vector<128x128xf32>, vector<1000x128xf32> -> vector<1000x128xf32>
    %mul3A_32 = vector.broadcast %broadcast_in_dim3A : vector<1000x1xf32> to vector<1000x128xf32>
    %mul3A_33 = arith.mulf %dot_general3A_31, %mul3A_32 : vector<1000x128xf32>
    %swap3A = arith.constant 0 : index
    %swap3A_34 = arith.constant 0 : index
    %swap3A_35 = vector.load %arg6[%swap3A, %swap3A_34] : memref<1000x128xf32, #tpu.memory_space<vmem>>, vector<1000x128xf32>
    tpu.vector_store %arg6[%swap3A, %swap3A_34], %mul3A_33 {strides = array<i32>} : memref<1000x128xf32, #tpu.memory_space<vmem>>, vector<1000x128xf32>,
    return
  }
  func.func @transform_0(%arg0: i32) -> (i32, i32, i32) {
    %c0_i32 = arith.constant 0 : i32
    %c0_i32_0 = arith.constant 0 : i32
    %c0_i32_1 = arith.constant 0 : i32
    return %c0_i32, %arg0, %c0_i32_0 : i32, i32, i32
  }
  func.func @transform_1(%arg0: i32) -> (i32, i32) {
    %c0_i32 = arith.constant 0 : i32
    %c0_i32_0 = arith.constant 0 : i32
    return %arg0, %c0_i32 : i32, i32
  }
  func.func @transform_2(%arg0: i32) -> (i32, i32) {
    %c0_i32 = arith.constant 0 : i32
    %c0_i32_0 = arith.constant 0 : i32
    %c0_i32_1 = arith.constant 0 : i32
    return %c0_i32, %c0_i32_0 : i32, i32
  }
  func.func @transform_3(%arg0: i32) -> (i32, i32) {
    %c0_i32 = arith.constant 0 : i32
    %c0_i32_0 = arith.constant 0 : i32
    %c0_i32_1 = arith.constant 0 : i32
    return %c0_i32, %c0_i32_0 : i32, i32
  }
  func.func @transform_4(%arg0: i32) -> (i32, i32) {
    %c0_i32 = arith.constant 0 : i32
    %c0_i32_0 = arith.constant 0 : i32
    return %arg0, %c0_i32 : i32, i32
  }
  func.func @transform_5(%arg0: i32) -> (i32, i32) {
    %c0_i32 = arith.constant 0 : i32
    %c0_i32_0 = arith.constant 0 : i32
    return %arg0, %c0_i32 : i32, i32
  }
}

module attributes {stable_mosaic.version = 14 : i64} {
  func.func @_tc3_body(%arg0: i32, %arg1: memref<2x1000x128xf32, #tpu.memory_space<vmem>>, %arg2: memref<1000x128xf32, #tpu.memory_space<vmem>>, %arg3: memref<1x128xf32, #tpu.memory_space<vmem>>, %arg4: memref<128x64xf32, #tpu.memory_space<vmem>>, %arg5: memref<1x64xf32, #tpu.memory_space<vmem>>, %arg6: memref<64x10xf32, #tpu.memory_space<vmem>>, %arg7: memref<1x10xf32, #tpu.memory_space<vmem>>, %arg8: memref<1000x2xf32, #tpu.memory_space<vmem>>, %arg9: memref<1000x10xf32, #tpu.memory_space<vmem>>) attributes {dimension_semantics = [#tpu.dimension_semantics<arbitrary>], iteration_bounds = array<i64: 10>, scalar_prefetch = 0 : i64, scratch_operands = 0 : i64, tpu.core_type = #tpu.core_type<tc>, window_params = [{transform_indices = @transform_0, window_bounds = array<i64: 2, 1000, 128>}, {transform_indices = @transform_1, window_bounds = array<i64: 1000, 128>}, {pipeline_mode = #tpu.pipeline_mode<synchronous>, transform_indices = @transform_2, window_bounds = array<i64: 1, 128>}, {pipeline_mode = #tpu.pipeline_mode<synchronous>, transform_indices = @transform_3, window_bounds = array<i64: 128, 64>}, {pipeline_mode = #tpu.pipeline_mode<synchronous>, transform_indices = @transform_4, window_bounds = array<i64: 1, 64>}, {pipeline_mode = #tpu.pipeline_mode<synchronous>, transform_indices = @transform_5, window_bounds = array<i64: 64, 10>}, {pipeline_mode = #tpu.pipeline_mode<synchronous>, transform_indices = @transform_6, window_bounds = array<i64: 1, 10>}, {transform_indices = @transform_7, window_bounds = array<i64: 1000, 2>}, {transform_indices = @transform_8, window_bounds = array<i64: 1000, 10>}]} {
    %get3A = arith.constant 0 : index
    %get3A_0 = arith.constant 0 : index
    %get3A_1 = vector.load %arg8[%get3A, %get3A_0] : memref<1000x2xf32, #tpu.memory_space<vmem>>, vector<1000x2xf32>
    %slice3A = vector.extract_strided_slice %get3A_1 {offsets = [0, 0], sizes = [1000, 1], strides = [1, 1]} : vector<1000x2xf32> to vector<1000x1xf32>
    %squeeze3A = vector.shape_cast %slice3A : vector<1000x1xf32> to vector<1000xf32>
    %slice3A_2 = vector.extract_strided_slice %get3A_1 {offsets = [0, 1], sizes = [1000, 1], strides = [1, 1]} : vector<1000x2xf32> to vector<1000x1xf32>
    %squeeze3A_3 = vector.shape_cast %slice3A_2 : vector<1000x1xf32> to vector<1000xf32>
    %add3A = arith.addf %squeeze3A, %squeeze3A_3 : vector<1000xf32>
    %add3A_4 = arith.constant 1.000000e+00 : f32
    %add3A_5 = vector.broadcast %add3A_4 : f32 to vector<1000xf32>
    %add3A_6 = arith.addf %add3A, %add3A_5 : vector<1000xf32>
    %rsqrt3A = math.rsqrt %add3A_6 : vector<1000xf32>
    %broadcast_in_dim3A = vector.shape_cast %rsqrt3A : vector<1000xf32> to vector<1000x1xf32>
    %get3A_7 = arith.constant 0 : index
    %get3A_8 = arith.constant 0 : index
    %get3A_9 = arith.constant 0 : index
    %get3A_10 = vector.load %arg1[%get3A_7, %get3A_8, %get3A_9] : memref<2x1000x128xf32, #tpu.memory_space<vmem>>, vector<2x1000x128xf32>
    %slice3A_11 = vector.extract_strided_slice %get3A_10 {offsets = [0, 0, 0], sizes = [1, 1000, 128], strides = [1, 1, 1]} : vector<2x1000x128xf32> to vector<1x1000x128xf32>
    %squeeze3A_12 = vector.shape_cast %slice3A_11 : vector<1x1000x128xf32> to vector<1000x128xf32>
    %slice3A_13 = vector.extract_strided_slice %get3A_10 {offsets = [1, 0, 0], sizes = [1, 1000, 128], strides = [1, 1, 1]} : vector<2x1000x128xf32> to vector<1x1000x128xf32>
    %squeeze3A_14 = vector.shape_cast %slice3A_13 : vector<1x1000x128xf32> to vector<1000x128xf32>
    %add3A_15 = arith.addf %squeeze3A_12, %squeeze3A_14 : vector<1000x128xf32>
    %get3A_16 = arith.constant 0 : index
    %get3A_17 = arith.constant 0 : index
    %get3A_18 = vector.load %arg2[%get3A_16, %get3A_17] : memref<1000x128xf32, #tpu.memory_space<vmem>>, vector<1000x128xf32>
    %add3A_19 = arith.addf %add3A_15, %get3A_18 : vector<1000x128xf32>
    %mul3A = vector.broadcast %broadcast_in_dim3A : vector<1000x1xf32> to vector<1000x128xf32>
    %mul3A_20 = arith.mulf %add3A_19, %mul3A : vector<1000x128xf32>
    %get3A_21 = arith.constant 0 : index
    %get3A_22 = arith.constant 0 : index
    %get3A_23 = vector.load %arg3[%get3A_21, %get3A_22] : memref<1x128xf32, #tpu.memory_space<vmem>>, vector<1x128xf32>
    %add3A_24 = vector.broadcast %get3A_23 : vector<1x128xf32> to vector<1000x128xf32>
    %add3A_25 = arith.addf %mul3A_20, %add3A_24 : vector<1000x128xf32>
    %max3A = arith.constant 0.000000e+00 : f32
    %max3A_26 = vector.broadcast %max3A : f32 to vector<1000x128xf32>
    %max3A_27 = arith.maximumf %add3A_25, %max3A_26 : vector<1000x128xf32>
    %get3A_28 = arith.constant 0 : index
    %get3A_29 = arith.constant 0 : index
    %get3A_30 = vector.load %arg4[%get3A_28, %get3A_29] : memref<128x64xf32, #tpu.memory_space<vmem>>, vector<128x64xf32>
    %dot_general3A = arith.constant dense<0.000000e+00> : vector<1000x64xf32>
    %dot_general3A_31 = tpu.matmul %max3A_27, %get3A_30, %dot_general3A {dimension_numbers = #tpu.dot_dimension_numbers<[1], [0], [0], [1], [0, 0, 1, 1], [], []>, transpose_lhs_hint = false} : vector<1000x128xf32>, vector<128x64xf32>, vector<1000x64xf32> -> vector<1000x64xf32>
    %get3A_32 = arith.constant 0 : index
    %get3A_33 = arith.constant 0 : index
    %get3A_34 = vector.load %arg5[%get3A_32, %get3A_33] : memref<1x64xf32, #tpu.memory_space<vmem>>, vector<1x64xf32>
    %add3A_35 = vector.broadcast %get3A_34 : vector<1x64xf32> to vector<1000x64xf32>
    %add3A_36 = arith.addf %dot_general3A_31, %add3A_35 : vector<1000x64xf32>
    %max3A_37 = arith.constant 0.000000e+00 : f32
    %max3A_38 = vector.broadcast %max3A_37 : f32 to vector<1000x64xf32>
    %max3A_39 = arith.maximumf %add3A_36, %max3A_38 : vector<1000x64xf32>
    %get3A_40 = arith.constant 0 : index
    %get3A_41 = arith.constant 0 : index
    %get3A_42 = vector.load %arg6[%get3A_40, %get3A_41] : memref<64x10xf32, #tpu.memory_space<vmem>>, vector<64x10xf32>
    %dot_general3A_43 = arith.constant dense<0.000000e+00> : vector<1000x10xf32>
    %dot_general3A_44 = tpu.matmul %max3A_39, %get3A_42, %dot_general3A_43 {dimension_numbers = #tpu.dot_dimension_numbers<[1], [0], [0], [1], [0, 0, 1, 1], [], []>, transpose_lhs_hint = false} : vector<1000x64xf32>, vector<64x10xf32>, vector<1000x10xf32> -> vector<1000x10xf32>
    %get3A_45 = arith.constant 0 : index
    %get3A_46 = arith.constant 0 : index
    %get3A_47 = vector.load %arg7[%get3A_45, %get3A_46] : memref<1x10xf32, #tpu.memory_space<vmem>>, vector<1x10xf32>
    %add3A_48 = vector.broadcast %get3A_47 : vector<1x10xf32> to vector<1000x10xf32>
    %add3A_49 = arith.addf %dot_general3A_44, %add3A_48 : vector<1000x10xf32>
    %reduce_max3A = arith.constant dense<0xFF800000> : vector<1000xf32>
    %reduce_max3A_50 = vector.multi_reduction <maximumf>, %add3A_49, %reduce_max3A [1] : vector<1000x10xf32> to vector<1000xf32>
    %broadcast_in_dim3A_51 = vector.shape_cast %reduce_max3A_50 : vector<1000xf32> to vector<1000x1xf32>
    %sub3A = vector.broadcast %broadcast_in_dim3A_51 : vector<1000x1xf32> to vector<1000x10xf32>
    %sub3A_52 = arith.subf %add3A_49, %sub3A : vector<1000x10xf32>
    %exp3A = math.exp %sub3A_52 : vector<1000x10xf32>
    %reduce_sum3A = arith.constant dense<0.000000e+00> : vector<1000xf32>
    %reduce_sum3A_53 = vector.multi_reduction <add>, %exp3A, %reduce_sum3A [1] : vector<1000x10xf32> to vector<1000xf32>
    %broadcast_in_dim3A_54 = vector.shape_cast %reduce_sum3A_53 : vector<1000xf32> to vector<1000x1xf32>
    %sub3A_55 = vector.broadcast %broadcast_in_dim3A_51 : vector<1000x1xf32> to vector<1000x10xf32>
    %sub3A_56 = arith.subf %add3A_49, %sub3A_55 : vector<1000x10xf32>
    %log3A = math.log %broadcast_in_dim3A_54 : vector<1000x1xf32>
    %sub3A_57 = vector.broadcast %log3A : vector<1000x1xf32> to vector<1000x10xf32>
    %sub3A_58 = arith.subf %sub3A_56, %sub3A_57 : vector<1000x10xf32>
    %swap3A = arith.constant 0 : index
    %swap3A_59 = arith.constant 0 : index
    %swap3A_60 = vector.load %arg9[%swap3A, %swap3A_59] : memref<1000x10xf32, #tpu.memory_space<vmem>>, vector<1000x10xf32>
    tpu.vector_store %arg9[%swap3A, %swap3A_59], %sub3A_58 {strides = array<i32>} : memref<1000x10xf32, #tpu.memory_space<vmem>>, vector<1000x10xf32>,
    return
  }
  func.func @transform_0(%arg0: i32) -> (i32, i32, i32) {
    %c0_i32 = arith.constant 0 : i32
    %c0_i32_0 = arith.constant 0 : i32
    %c0_i32_1 = arith.constant 0 : i32
    return %c0_i32, %arg0, %c0_i32_0 : i32, i32, i32
  }
  func.func @transform_1(%arg0: i32) -> (i32, i32) {
    %c0_i32 = arith.constant 0 : i32
    %c0_i32_0 = arith.constant 0 : i32
    return %arg0, %c0_i32 : i32, i32
  }
  func.func @transform_2(%arg0: i32) -> (i32, i32) {
    %c0_i32 = arith.constant 0 : i32
    %c0_i32_0 = arith.constant 0 : i32
    %c0_i32_1 = arith.constant 0 : i32
    return %c0_i32, %c0_i32_0 : i32, i32
  }
  func.func @transform_3(%arg0: i32) -> (i32, i32) {
    %c0_i32 = arith.constant 0 : i32
    %c0_i32_0 = arith.constant 0 : i32
    %c0_i32_1 = arith.constant 0 : i32
    return %c0_i32, %c0_i32_0 : i32, i32
  }
  func.func @transform_4(%arg0: i32) -> (i32, i32) {
    %c0_i32 = arith.constant 0 : i32
    %c0_i32_0 = arith.constant 0 : i32
    %c0_i32_1 = arith.constant 0 : i32
    return %c0_i32, %c0_i32_0 : i32, i32
  }
  func.func @transform_5(%arg0: i32) -> (i32, i32) {
    %c0_i32 = arith.constant 0 : i32
    %c0_i32_0 = arith.constant 0 : i32
    %c0_i32_1 = arith.constant 0 : i32
    return %c0_i32, %c0_i32_0 : i32, i32
  }
  func.func @transform_6(%arg0: i32) -> (i32, i32) {
    %c0_i32 = arith.constant 0 : i32
    %c0_i32_0 = arith.constant 0 : i32
    %c0_i32_1 = arith.constant 0 : i32
    return %c0_i32, %c0_i32_0 : i32, i32
  }
  func.func @transform_7(%arg0: i32) -> (i32, i32) {
    %c0_i32 = arith.constant 0 : i32
    %c0_i32_0 = arith.constant 0 : i32
    return %arg0, %c0_i32 : i32, i32
  }
  func.func @transform_8(%arg0: i32) -> (i32, i32) {
    %c0_i32 = arith.constant 0 : i32
    %c0_i32_0 = arith.constant 0 : i32
    return %arg0, %c0_i32 : i32, i32
  }
}

</mosaic_0001>

<sc_bundles>
// kernel: kernel.11.cloned.1.call-start
scs
__scs_entry_jumppad:
0x0: {  	(pc) =	sbr.rel $0x88, $3  }
0x1: {  	(tag) =	ssettag $0x0;
	lr =	simm.s32 $0x1  }
0x2: {  	[smem:$0x3F97] =	sst lr;
	_ =	strace $0xD0000000  }
0x3: {  	_ = 	snop  }
0x4: {  	_ = 	snop  }
0x5: {  	_ = 	snop  }
0x6: {  	_ = 	snop  }
0x7: {  	_ = 	snop  }
__scs_overlays_trampoline_lowered:
0x8: {  	[smem:$0x3FA6] =	sst s0  }
0x9: {  	[smem:$0x3FA7] =	sst s1  }
0xa: {  	[smem:$0x3FA8] =	sst s2  }
0xb: {  	[smem:$0x3FA9] =	sst s3  }
0xc: {  	[smem:$0x3FAA] =	sst s4  }
0xd: {  	[smem:$0x3FAB] =	sst s5  }
0xe: {  	[smem:$0x3FAC] =	sst s6  }
0xf: {  	[smem:$0x3FAD] =	sst s7  }
0x10: {  	[smem:$0x3FAE] =	sst s8  }
0x11: {  	[smem:$0x3FAF] =	sst s9;
	s0 =	simm.s32 @!p0 $0x0  }
0x12: {  	s1 =	sld [smem:$0x3F95];
	s0 =	simm.s32 @p0 $0x1  }
0x13: {  	[smem:$0x3FB0] =	sst s0;
	s0 =	simm.s32 @!p1 $0x0  }
0x14: {  	s2 =	sld [smem:$0x3F94];
	s0 =	simm.s32 @p1 $0x1  }
0x15: {  	[smem:$0x3FB1] =	sst s0;
	s0 =	simm.s32 @!p2 $0x0  }
0x16: {  	s3 =	sld [smem:$0x3FDB];
	s0 =	simm.s32 @p2 $0x1  }
0x17: {  	s4 =	simm.s32 $0x1BF5;
	[smem:$0x3FB3] =	sst s0  }
0x18: {  	s0 =	sld [smem:$0x3F96];
	_ =	swait.ge [sflag:s4], $0x0  }
0x19: {  	s7 =	sld [smem:$0x3F97]  }
0x1a: {  	s8 =	sadd.s32 $0xFFFFE003, lr  }
0x1b: {  	s9 =	sadd.s32 $0xFFFFFEF7, lr;
	s5 =	simm.s32 $0xFFFFFFFF;
	p2 =	slt.u32 s8, $0xFFFFF086  }
0x1c: {  	p1 =	slt.u32 s9, $0xF7A;
	s5 =	simm.s32 @!p2 $0x0  }
0x1d: {  	s5 =	simm.s32 @p1 $0x1;
	p0 =	seq.s32 s7, s2  }
0x1e: {  	s7 =	smul.u32 @!p0 $0xF7A, s2;
	p2 =	seq.s32 @!p0 s5, $0x0  }
0x1f: {  	s9 =	smul.u32 $0xF7A, s1;
	s8 =	simm.s32 @!p0 $0x1BF5;
	p2 =	por !p2, p0  }
0x20: {  	[sflag:s8] =	ssyncset.s32 @!p0 $0xFFFFF086;
	s6 =	sadd.s32 @!p0 s3, s7;
	s7 =	simm.s32 @!p0 $0x108  }
0x21: {  	s3 =	sadd.s32 s3, s9;
	s6 =	sadd.s32 @!p0 $0x88, s6;
	s7 =	simm.s32 @p2 $0x1082  }
0x22: {  	[simem:s7], [sflag:s8] =	dma.local @!p0 [hbm:s6], $0xF7A  }
0x23: {  	s9 =	sor.u32 $0xD0000000, s2;
	s6 =	simm.s32 $0x108;
	_ =	swait.ge @!p0 [sflag:s8], $0x0  }
0x24: {  	s3 =	sadd.s32 $0x88, s3;
	s6 =	simm.s32 @!p1 $0x1082;
	[sflag:s4] =	ssyncset.s32 $0xFFFFF086  }
0x25: {  	[simem:s6], [sflag:s4] =	dma.local [hbm:s3], $0xF7A  }
0x26: {  	[smem:$0x3F97] =	sst s1;
	(tag) =	ssettag s2;
	_ =	strace s9  }
0x27: {  	s1 =	sld [smem:$0x3FA7]  }
0x28: {  	s2 =	sld [smem:$0x3FA8]  }
0x29: {  	s4 =	sld [smem:$0x3FAA]  }
0x2a: {  	p0 =	seq.s32 s5, $0x0;
	s5 =	sld [smem:$0x3FAB]  }
0x2b: {  	s6 =	sld [smem:$0x3FAC]  }
0x2c: {  	s7 =	sld [smem:$0x3FAD]  }
0x2d: {  	s3 =	simm.s32 $0x108;
	s8 =	sld [smem:$0x3FAE]  }
0x2e: {  	s3 =	simm.s32 @!p0 $0x1082;
	s9 =	sld [smem:$0x3FAF]  }
0x2f: {  	lr =	sadd.s32 s0, s3;
	s0 =	sld [smem:$0x3FA6]  }
0x30: {  	s3 =	sld [smem:$0x3FA9]  }
0x31: {  	[smem:$0x3FB2] =	sst s10  }
0x32: {  	s10 =	sld [smem:$0x3FB0];
	_ =	sdelay $0x3  }
0x33: {  	p0 =	seq.s32 s10, $0x1;
	s10 =	sld [smem:$0x3FB2];
	_ =	sdelay $0x3  }
0x34: {  	[smem:$0x3FB2] =	sst s10  }
0x35: {  	s10 =	sld [smem:$0x3FB1];
	_ =	sdelay $0x3  }
0x36: {  	p1 =	seq.s32 s10, $0x1;
	s10 =	sld [smem:$0x3FB2];
	_ =	sdelay $0x3  }
0x37: {  	[smem:$0x3FB2] =	sst s10  }
0x38: {  	s10 =	sld [smem:$0x3FB3]  }
0x39: {  	_ = 	snop;
	(pc) =	sbr.ind lr, $3  }
0x3a: {  	_ = 	snop  }
0x3b: {  	_ = 	snop  }
0x3c: {  	p2 =	seq.s32 s10, $0x1;
	s10 =	sld [smem:$0x3FB2]  }
0x3d: {  	_ =	shalt  }
0x3e: {  	_ =	shalt  }
0x3f: {  	_ =	shalt  }
0x40: {  	_ =	shalt  }
0x41: {  	_ =	shalt  }
0x42: {  	_ =	shalt  }
0x43: {  	_ =	shalt  }
0x44: {  	_ =	shalt  }
0x45: {  	_ =	shalt  }
0x46: {  	_ =	shalt  }
0x47: {  	_ =	shalt  }
0x48: {  	_ =	shalt  }
0x49: {  	_ =	shalt  }
0x4a: {  	_ =	shalt  }
0x4b: {  	_ =	shalt  }
0x4c: {  	_ =	shalt  }
0x4d: {  	_ =	shalt  }
0x4e: {  	_ =	shalt  }
0x4f: {  	_ =	shalt  }
0x50: {  	_ =	shalt  }
0x51: {  	_ =	shalt  }
0x52: {  	_ =	shalt  }
0x53: {  	_ =	shalt  }
0x54: {  	_ =	shalt  }
0x55: {  	_ =	shalt  }
0x56: {  	_ =	shalt  }
0x57: {  	_ =	shalt  }
0x58: {  	_ =	shalt  }
0x59: {  	_ =	shalt  }
0x5a: {  	_ =	shalt  }
0x5b: {  	_ =	shalt  }
0x5c: {  	_ =	shalt  }
0x5d: {  	_ =	shalt  }
0x5e: {  	_ =	shalt  }
0x5f: {  	_ =	shalt  }
0x60: {  	_ =	shalt  }
0x61: {  	_ =	shalt  }
0x62: {  	_ =	shalt  }
0x63: {  	_ =	shalt  }
0x64: {  	_ =	shalt  }
0x65: {  	_ =	shalt  }
0x66: {  	_ =	shalt  }
0x67: {  	_ =	shalt  }
0x68: {  	_ =	shalt  }
0x69: {  	_ =	shalt  }
0x6a: {  	_ =	shalt  }
0x6b: {  	_ =	shalt  }
0x6c: {  	_ =	shalt  }
0x6d: {  	_ =	shalt  }
0x6e: {  	_ =	shalt  }
0x6f: {  	_ =	shalt  }
0x70: {  	_ =	shalt  }
0x71: {  	_ =	shalt  }
0x72: {  	_ =	shalt  }
0x73: {  	_ =	shalt  }
0x74: {  	_ =	shalt  }
0x75: {  	_ =	shalt  }
0x76: {  	_ =	shalt  }
0x77: {  	_ =	shalt  }
0x78: {  	_ =	shalt  }
0x79: {  	_ =	shalt  }
0x7a: {  	_ =	shalt  }
0x7b: {  	_ =	shalt  }
0x7c: {  	_ =	shalt  }
0x7d: {  	_ =	shalt  }
0x7e: {  	_ =	shalt  }
0x7f: {  	_ =	shalt  }
0x80: {  	_ =	shalt  }
0x81: {  	_ =	shalt  }
0x82: {  	_ =	shalt  }
0x83: {  	_ =	shalt  }
0x84: {  	_ =	shalt  }
0x85: {  	_ =	shalt  }
0x86: {  	_ =	shalt  }
0x87: {  	_ =	shalt  }
.Lfunc_end0:
.L_simem_size_0:
called_computation.1_lowered:
.L_overlay_start_0:
0x88: {  	s2 =	sld [smem:$0x3FD9]  }
0x89: {  	s3 =	sld [smem:$0x3FFE];
	_ =	sdelay $0x1  }
0x8a: {  	s1 =	srdreg.scid  }
0x8b: {  	s0 =	sand.u32 $0x1, s1  }
0x8c: {  	s17 =	sshll.u32 s0, $0xA;
	s2 =	sadd.s32 s3, s2  }
0x8d: {  	s2 =	sadd.s32 s2, s17  }
0x8e: {  	[smem:$0x3FBE] =	sst s2  }
0x8f: {  	_ = 	snop  }
0x90: {  	s2 =	sld [smem:$0x3FD0];
	(tm) =	ssettm $0x1  }
0x91: {  	s18 =	sld [smem:$0x3FFB];
	_ =	sdelay $0x3  }
0x92: {  	_ =	strace s18  }
0x93: {  	s3 =	sld [smem:$0x3FFC];
	_ =	sdelay $0x3  }
0x94: {  	_ =	strace s3  }
0x95: {  	s3 =	sld [smem:$0x3FFD];
	_ =	sdelay $0x3  }
0x96: {  	_ =	strace s3  }
0x97: {  	_ =	strace $0x8FFFFFFF  }
0x98: {  	s19 =	sld [smem:$0x3FDB];
	_ =	sdelay $0x1  }
0x99: {  	s4 =	simm.s32 $_scs_section_size  }
0x9a: {  	s5 =	simm.s32 $_size__tile_overlayer_lowered;
	s6 =	simm.s32 $_tile_overlayer_lowered  }
0x9b: {  	s22 =	simm.s32 $0x1BFF;
	s21 =	sshll.u32 s6, $0x1;
	s3 =	sadd.s32 s4, s19  }
0x9c: {  	s7 =	simm.s32 $0x0;
	s20 =	sshll.u32 s5, $0x1;
	s5 =	sadd.s32 s21, s3  }
0x9d: {  	[timem:s7], [sflag:s22] =	dma.local [hbm:s5], s20  }
0x9e: {  	_ =	swait.ge [sflag:s22], s20  }
0x9f: {  	s4 =	ssub.s32 $0x0, s20;
	[sflag:s22] =	ssyncset.done $0x0  }
0xa0: {  	[sflag:s22] =	ssyncadd.s32 s4;
	_ =	sdelay $0x1  }
0xa1: {  	s23 =	simm.s32 $0x1B8B  }
0xa2: {  	_ =	swait.ge [sflag:s23], $0x1  }
0xa3: {  	[sflag:s23] =	ssyncset.done $0x0  }
0xa4: {  	s25 =	simm.s32 $0x1B8E;
	s24 =	sld [smem:$0x3FFE];
	[sflag:s23] =	ssyncadd.s32 $0xFFFFFFFF  }
0xa5: {  	s26 =	simm.s32 $execute0_lowered;
	[smem:$0x3FD2] =	sst s25  }
0xa6: {  	s5 =	sshll.u32 s26, $0x1;
	_ =	strace $0x80000049;
	[dreg:$0x1] =	wrdreg $0xFFFFFFFF  }
0xa7: {  	s28 =	simm.s32 $_size_execute0_lowered;
	s3 =	sadd.s32 s3, s5;
	[dreg:$0x0] =	wrdreg $0x0  }
0xa8: {  	s5 =	sshll.u32 s28, $0x1;
	[dreg:$0x2] =	wrdreg s3  }
0xa9: {  	[dreg:$0x3] =	wrdreg s5  }
0xaa: {  	[dreg:$0x4] =	wrdreg $0xC0  }
0xab: {  	_ =	task [dreg:s7], $0x5FFFF  }
0xac: {  	[dreg:$0x1] =	wrdreg $0xFFFFFFFF  }
0xad: {  	[dreg:$0x0] =	wrdreg $0x60  }
0xae: {  	[dreg:$0x2] =	wrdreg s24  }
0xaf: {  	[dreg:$0x3] =	wrdreg s2  }
0xb0: {  	[dreg:$0x4] =	wrdreg $0xA9000  }
0xb1: {  	[dreg:$0x5] =	wrdreg $0x9  }
0xb2: {  	_ =	task.clear_ibuf [dreg:s7], $0x6FFFF;
	_ =	strace $0x90000049  }
0xb3: {  	s29 =	simm.s32 $0x9;
	_ =	strace $0x8000004B  }
0xb4: {  	_ =	swait.ge [sflag:s29], $0x1  }
0xb5: {  	[sflag:s29] =	ssyncadd.s32 $0xFFFFFFFF  }
0xb6: {  	_ =	strace $0x9000004B  }
0xb7: {  	_ =	sfence  }
0xb8: {  	s30 =	sld [smem:$0x0];
	_ =	sdelay $0x2  }
0xb9: {  	s31 =	sshll.u32 s1, $0xD;
	s1 =	sshrl.u32 s1, $0x2  }
0xba: {  	s3 =	sand.u32 $0x4000, s31;
	s1 =	sadd.s32 s1, s30  }
0xbb: {  	s0 =	sor.u32 s3, s0;
	s1 =	sshll.u32 s1, $0x11  }
0xbc: {  	s0 =	sor.u32 s1, s0  }
0xbd: {  	s0 =	sadd.s32 $0x8F2B, s0  }
0xbe: {  	[sflag:s0] =	ssyncadd.remote.s32 $0x1  }
0xbf: {  	_ =	sfence.sel $0xFFFF  }
0xc0: {  	[dreg:$0x0] =	wrdreg $0xFFFFFFFF;
	(pc) =	sbr.abs _section_cstart, $3  }
0xc1: {  	[dreg:$0x1] =	wrdreg $0xFFFFFFFF  }
0xc2: {  	_ =	task.clear_ibuf [dreg:s7], $0x2FFFF;
	_ =	strace $0x9FFFFFFF  }
0xc3: {  	(tm) =	ssettm $0x7FFFFFFF  }
tec
execute0_lowered:
.L_overlay_start_1:
0x0: {  	(tag) =	ssettag $0x1  }
0x1: {  	s1 =	srdreg.scid;
	s8 =	rddreg [dreg:$0x0]  }
0x2: {  	s0 =	stileid.u32;
	s2 =	rddreg [dreg:$0x1]  }
0x3: {  	s3 =	rddreg [dreg:$0x2];
	s5 =	simm.s32 $0x0;
	s16 =	simm.s32 $0x80  }
0x4: {  	s17 =	simm.s32 $0x2900;
	s18 =	simm.s32 $0x6900;
	s21 =	simm.s32 $0x1  }
0x5: {  	s22 =	simm.s32 $0x3;
	s23 =	simm.s32 $0x2;
	s24 =	simm.s32 $0x4  }
0x6: {  	s25 =	simm.s32 $0x0;
	s7 =	sand.u32 $0x1, s1;
	s29 =	sshll.u32 s0, $0x1  }
0x7: {  	[smem:$0x7FF] =	sst s5;
	s10 =	smul.u32 $0x14000, s0;
	s6 =	sadd.s32 $0x16C00, s8  }
0x8: {  	s14 =	smul.u32 $0x50000, s0;
	s19 =	sshll.u32 s0, $0x6;
	s1 =	sor.u32 s7, s29  }
0x9: {  	s9 =	smul.u32 $0x140000, s7;
	_ =	strace $0x8000004A;
	s30 =	ssub.s32 $0x2, s7  }
0xa: {  	s7 =	sadd.s32 $0x2C00, s8;
	s19 =	sor.u32 $0x1C05, s19;
	s4 =	smul.u32 $0x2800, s1  }
0xb: {  	s13 =	sshrl.u32 s30, $0x1;
	s31 =	sshrl.u32 s14, $0x2;
	s14 =	simm.s32 $0x2800  }
0xc: {  	s9 =	sadd.s32 s10, s9;
	s13 =	ssub.s32 s30, s13;
	s20 =	sadd.s32 s31, s3  }
0xd: {  	s11 =	sshrl.u32 s4, $0x3;
	s9 =	sshrl.u32 s9, $0x3;
	s20 =	sshrl.u32 s20, $0x3  }
0xe: {  	s12 =	sadd.s32 s11, s8;
	s15 =	sadd.s32 s9, s8;
	s9 =	sadd.s32 s7, s11  }
0xf: {  	s8 =	sadd.s32 $0xCC00, s12;
	s10 =	sadd.s32 $0x10, s9;
	s11 =	sadd.s32 $0x3DE00, s15  }
0x10: {  	s12 =	smax.u32 s13, $0x1;
	s13 =	simm.s32 $0x5;
	s15 =	simm.s32 $0x2880  }
.LBB2_1:
0x11: {  	[tilespmem:s5], [sflag:$0x5] =	stream.linear.gather [hbm4b:s8+s5], $0x2800, $0x38;
	[tilespmem:$0x1E900] =	vst v63  }
0x12: {  	_ =	swait.ge [sflag:s13], $0x2800  }
0x13: {  	[sflag:s13] =	ssyncset.done $0x0  }
0x14: {  	[sflag:s13] =	ssyncadd.s32 $0xFFFFD800  }
0x15: {  	[tilespmem:s14], [sflag:$0x3] =	stream.linear.gather [hbm4b:s9+s5], $0x80, $0x38;
	[tilespmem:$0x1E900] =	vst v63  }
0x16: {  	_ = 	snop  }
0x17: {  	[tilespmem:s15], [sflag:$0x4] =	stream.linear.gather [hbm4b:s10+s5], $0x80, $0x38;
	[tilespmem:$0x1E900] =	vst v63  }
0x18: {  	_ = 	snop  }
0x19: {  	[tilespmem:s17], [sflag:$0x1] =	stream.indirect.gather [hbm4b:s6+s16], $0x80, s5, s16, $0xb8;
	[tilespmem:$0x1E900] =	vst v63  }
0x1a: {  	_ = 	snop  }
0x1b: {  	[tilespmem:s18], [sflag:$0x2] =	stream.indirect.gather [hbm4b:s6+s16], $0x80, s16, s16, $0xb8;
	[tilespmem:$0x1E900] =	vst v63  }
0x1c: {  	[spmem:s20], [sflag:s19] =	dma.local [hbm:s2], $0x2800  }
0x1d: {  	_ =	swait.ge [sflag:s13], $0x2800  }
0x1e: {  	[sflag:s13] =	ssyncset.done $0x0  }
0x1f: {  	[sflag:s13] =	ssyncadd.s32 $0xFFFFD800  }
0x20: {  	[bflag:$0x0] =	sbarrier.arrive $0xFFFF  }
0x21: {  	_ =	swait.ge [sflag:s21], $0x4000  }
0x22: {  	[sflag:s21] =	ssyncset.done $0x0  }
0x23: {  	[sflag:s21] =	ssyncadd.s32 $0xFFFFC000  }
0x24: {  	s26 =	simm.s32 $0x100;
	_ =	swait.ge [sflag:s22], $0x80  }
0x25: {  	s28 =	sand.u32 $0x7C00, s26;
	[sflag:s22] =	ssyncset.done $0x0  }
0x26: {  	s26 =	sand.u32 $0x300, s26;
	s28 =	sadd.s32 s4, s28;
	[sflag:s22] =	ssyncadd.s32 $0xFFFFFF80  }
0x27: {  	[spmem:s3] =	stream.indirect.scatter.add.f32 [tilespmem:s17], [sflag:$0x5], $0x80, s14, s16, $0xb8;
	[tilespmem:$0x1E900] =	vst v63  }
0x28: {  	s26 =	sor.u32 s26, s28;
	_ =	swait.ge [sflag:s13], $0x4000  }
0x29: {  	s26 =	sshrl.u32 s26, $0x3;
	[sflag:s13] =	ssyncset.done $0x0  }
0x2a: {  	s26 =	sadd.s32 s7, s26;
	[sflag:s13] =	ssyncadd.s32 $0xFFFFC000  }
0x2b: {  	[tilespmem:s14], [sflag:$0x3] =	stream.linear.gather [hbm4b:s26+s5], $0x80, $0x38;
	[tilespmem:$0x1E900] =	vst v63  }
0x2c: {  	s30 =	simm.s32 $0x100  }
0x2d: {  	[tilespmem:s17], [sflag:$0x1] =	stream.indirect.gather [hbm4b:s6+s16], $0x80, s30, s16, $0xb8;
	[tilespmem:$0x1E900] =	vst v63  }
0x2e: {  	_ =	swait.ge [sflag:s23], $0x4000  }
0x2f: {  	[sflag:s23] =	ssyncset.done $0x0  }
0x30: {  	[sflag:s23] =	ssyncadd.s32 $0xFFFFC000  }
0x31: {  	s31 =	simm.s32 $0x180;
	_ =	swait.ge [sflag:s24], $0x80  }
0x32: {  	s28 =	sand.u32 $0x7C00, s31;
	[sflag:s24] =	ssyncset.done $0x0  }
0x33: {  	s28 =	sadd.s32 s4, s28;
	s26 =	sand.u32 $0x380, s31;
	[sflag:s24] =	ssyncadd.s32 $0xFFFFFF80  }
0x34: {  	[spmem:s3] =	stream.indirect.scatter.add.f32 [tilespmem:s18], [sflag:$0x5], $0x80, s15, s16, $0xb8;
	[tilespmem:$0x1E900] =	vst v63  }
0x35: {  	s26 =	sor.u32 s26, s28;
	_ =	swait.ge [sflag:s13], $0x4000  }
0x36: {  	s26 =	sshrl.u32 s26, $0x3;
	[sflag:s13] =	ssyncset.done $0x0  }
0x37: {  	s26 =	sadd.s32 s7, s26;
	[sflag:s13] =	ssyncadd.s32 $0xFFFFC000  }
0x38: {  	[tilespmem:s15], [sflag:$0x4] =	stream.linear.gather [hbm4b:s26+s5], $0x80, $0x38;
	[tilespmem:$0x1E900] =	vst v63  }
0x39: {  	s29 =	simm.s32 $0x200;
	s28 =	simm.s32 $0x180;
	s26 =	simm.s32 $0x280  }
.LBB2_2:
0x3a: {  	s30 =	sadd.s32 $0x80, s29  }
0x3b: {  	p0 =	sne.s32 s26, $0x2780;
	s31 =	smov.u32 s26;
	s26 =	sadd.s32 $0x100, s26  }
0x3c: {  	[tilespmem:s18], [sflag:$0x2] =	stream.indirect.gather [hbm4b:s6+s16], $0x80, s28, s16, $0xb8;
	[tilespmem:$0x1E900] =	vst v63  }
0x3d: {  	s28 =	smov.u32 s30;
	_ =	swait.ge [sflag:s21], $0x4000  }
0x3e: {  	[sflag:s21] =	ssyncset.done $0x0  }
0x3f: {  	[sflag:s21] =	ssyncadd.s32 $0xFFFFC000  }
0x40: {  	_ =	swait.ge [sflag:s22], $0x80  }
0x41: {  	s30 =	sadd.s32 $0xFFFFFF80, s31;
	[sflag:s22] =	ssyncset.done $0x0  }
0x42: {  	s1 =	sand.u32 $0x7C00, s30;
	s30 =	sand.u32 $0x300, s30;
	[sflag:s22] =	ssyncadd.s32 $0xFFFFFF80  }
0x43: {  	[spmem:s3] =	stream.indirect.scatter.add.f32 [tilespmem:s17], [sflag:$0x5], $0x80, s14, s16, $0xb8;
	[tilespmem:$0x1E900] =	vst v63  }
0x44: {  	s1 =	sadd.s32 s4, s1;
	_ =	swait.ge [sflag:s13], $0x4000  }
0x45: {  	s1 =	sor.u32 s30, s1;
	[sflag:s13] =	ssyncset.done $0x0  }
0x46: {  	s1 =	sshrl.u32 s1, $0x3;
	[sflag:s13] =	ssyncadd.s32 $0xFFFFC000  }
0x47: {  	s1 =	sadd.s32 s7, s1  }
0x48: {  	[tilespmem:s14], [sflag:$0x3] =	stream.linear.gather [hbm4b:s1+s5], $0x80, $0x38;
	[tilespmem:$0x1E900] =	vst v63  }
0x49: {  	_ = 	snop  }
0x4a: {  	[tilespmem:s17], [sflag:$0x1] =	stream.indirect.gather [hbm4b:s6+s16], $0x80, s29, s16, $0xb8;
	[tilespmem:$0x1E900] =	vst v63  }
0x4b: {  	_ =	swait.ge [sflag:s23], $0x4000  }
0x4c: {  	[sflag:s23] =	ssyncset.done $0x0  }
0x4d: {  	[sflag:s23] =	ssyncadd.s32 $0xFFFFC000  }
0x4e: {  	_ =	swait.ge [sflag:s24], $0x80  }
0x4f: {  	s1 =	sand.u32 $0x7C00, s31;
	[sflag:s24] =	ssyncset.done $0x0  }
0x50: {  	s30 =	sand.u32 $0x380, s31;
	s1 =	sadd.s32 s4, s1;
	[sflag:s24] =	ssyncadd.s32 $0xFFFFFF80  }
0x51: {  	[spmem:s3] =	stream.indirect.scatter.add.f32 [tilespmem:s18], [sflag:$0x5], $0x80, s15, s16, $0xb8;
	[tilespmem:$0x1E900] =	vst v63  }
.Ltmp0:
0x52: {  	_ = 	snop;
	(pc) =	sbr.rel @p0 .LBB2_2-.Ltmp0, $4  }
0x53: {  	s1 =	sor.u32 s30, s1;
	_ =	swait.ge [sflag:s13], $0x4000  }
0x54: {  	s1 =	sshrl.u32 s1, $0x3;
	[sflag:s13] =	ssyncset.done $0x0  }
0x55: {  	s29 =	sadd.s32 $0x100, s29;
	s1 =	sadd.s32 s7, s1;
	[sflag:s13] =	ssyncadd.s32 $0xFFFFC000  }
0x56: {  	[tilespmem:s15], [sflag:$0x4] =	stream.linear.gather [hbm4b:s1+s5], $0x80, $0x38;
	[tilespmem:$0x1E900] =	vst v63  }
0x57: {  	[tilespmem:s18], [sflag:$0x2] =	stream.indirect.gather [hbm4b:s6+s16], $0x80, s28, s16, $0xb8;
	[tilespmem:$0x1E900] =	vst v63  }
0x58: {  	_ =	swait.ge [sflag:s21], $0x4000  }
0x59: {  	[sflag:s21] =	ssyncset.done $0x0  }
0x5a: {  	[sflag:s21] =	ssyncadd.s32 $0xFFFFC000  }
0x5b: {  	_ =	swait.ge [sflag:s22], $0x80  }
0x5c: {  	[sflag:s22] =	ssyncset.done $0x0  }
0x5d: {  	[sflag:s22] =	ssyncadd.s32 $0xFFFFFF80  }
0x5e: {  	[spmem:s3] =	stream.indirect.scatter.add.f32 [tilespmem:s17], [sflag:$0x5], $0x80, s14, s16, $0xb8;
	[tilespmem:$0x1E900] =	vst v63  }
0x5f: {  	_ =	swait.ge [sflag:s13], $0x4000  }
0x60: {  	[sflag:s13] =	ssyncset.done $0x0  }
0x61: {  	[sflag:s13] =	ssyncadd.s32 $0xFFFFC000  }
0x62: {  	_ =	swait.ge [sflag:s23], $0x4000  }
0x63: {  	[sflag:s23] =	ssyncset.done $0x0  }
0x64: {  	[sflag:s23] =	ssyncadd.s32 $0xFFFFC000  }
0x65: {  	_ =	swait.ge [sflag:s24], $0x80  }
0x66: {  	[sflag:s24] =	ssyncset.done $0x0  }
0x67: {  	[sflag:s24] =	ssyncadd.s32 $0xFFFFFF80  }
0x68: {  	[spmem:s3] =	stream.indirect.scatter.add.f32 [tilespmem:s18], [sflag:$0x5], $0x80, s15, s16, $0xb8;
	[tilespmem:$0x1E900] =	vst v63  }
0x69: {  	_ =	swait.ge [sflag:s13], $0x4000  }
0x6a: {  	s25 =	sadd.s32 $0x1, s25;
	[sflag:s13] =	ssyncset.done $0x0  }
0x6b: {  	p0 =	sne.s32 s25, s12;
	[sflag:s13] =	ssyncadd.s32 $0xFFFFC000  }
.Ltmp1:
0x6c: {  	[bflag:$0x0] =	sbarrier.arrive $0xFFFF;
	(pc) =	sbr.rel @p0 .LBB2_1-.Ltmp1, $4  }
0x6d: {  	[hbm:s11], [sflag:s19] =	dma.local [spmem:s20], $0x2800  }
0x6e: {  	_ =	swait.ge [sflag:s13], $0x2800  }
0x6f: {  	[sflag:s13] =	ssyncset.done $0x0  }
0x70: {  	[sflag:s13] =	ssyncadd.s32 $0xFFFFD800  }
0x71: {  	_ =	sfence.sel $0x180000  }
0x72: {  	[bflag:$0x0] =	sbarrier.arrive $0xFFFF  }
0x73: {  	_ =	strace $0x9000004A  }
0x74: {  	[bflag:$0x2] =	sbarrier.arrive $0xFFFF  }
0x75: {  	p0 =	sne.s32 s0, $0x0;
	s0 =	rddreg [dreg:$0x3]  }
0x76: {  	s0 =	sadd.s32 @!p0 $0x100000, s0  }
0x77: {  	[sflag:s0] =	ssyncadd.tile.s32 @!p0 $0x1;
	_ =	shalt  }
.Lfunc_end2:
_tile_overlayer_lowered:
.L_overlay_start_2:
0x78: {  	(tag) =	ssettag $0x2  }
0x79: {  	s0 =	rddreg [dreg:$0x0];
	s2 =	stileid.u32  }
0x7a: {  	s1 =	rddreg [dreg:$0x1];
	p0 =	sne.s32 s2, $0x0  }
0x7b: {  	s3 =	rddreg [dreg:$0x2];
	[bflag:$0x3] =	sbarrier.arrive $0xFFFF;
	s2 =	simm.s32 @!p0 $0x1C05  }
0x7c: {  	[timem:s3], [sflag:s2] =	dma.local @!p0 [hbm:s0], s1  }
0x7d: {  	s0 =	simm.s32 @!p0 $0x5  }
0x7e: {  	_ =	swait.ge @!p0 [sflag:s0], s1  }
0x7f: {  	s1 =	ssub.s32 @!p0 $0x0, s1;
	[sflag:s0] =	ssyncset.done @!p0 $0x0  }
0x80: {  	[sflag:s0] =	ssyncadd.s32 @!p0 s1  }
0x81: {  	[bflag:$0x3] =	sbarrier.arrive $0xFFFF  }
0x82: {  	_ =	shalt  }

// kernel: kernel.14.cloned.1.call-start
scs
__scs_entry_jumppad:
0x0: {  	(pc) =	sbr.rel $0x88, $3  }
0x1: {  	(tag) =	ssettag $0x0;
	lr =	simm.s32 $0x1  }
0x2: {  	[smem:$0x3F97] =	sst lr;
	_ =	strace $0xD0000000  }
0x3: {  	_ = 	snop  }
0x4: {  	_ = 	snop  }
0x5: {  	_ = 	snop  }
0x6: {  	_ = 	snop  }
0x7: {  	_ = 	snop  }
__scs_overlays_trampoline_lowered:
0x8: {  	[smem:$0x3FA6] =	sst s0  }
0x9: {  	[smem:$0x3FA7] =	sst s1  }
0xa: {  	[smem:$0x3FA8] =	sst s2  }
0xb: {  	[smem:$0x3FA9] =	sst s3  }
0xc: {  	[smem:$0x3FAA] =	sst s4  }
0xd: {  	[smem:$0x3FAB] =	sst s5  }
0xe: {  	[smem:$0x3FAC] =	sst s6  }
0xf: {  	[smem:$0x3FAD] =	sst s7  }
0x10: {  	[smem:$0x3FAE] =	sst s8  }
0x11: {  	[smem:$0x3FAF] =	sst s9;
	s0 =	simm.s32 @!p0 $0x0  }
0x12: {  	s1 =	sld [smem:$0x3F95];
	s0 =	simm.s32 @p0 $0x1  }
0x13: {  	[smem:$0x3FB0] =	sst s0;
	s0 =	simm.s32 @!p1 $0x0  }
0x14: {  	s2 =	sld [smem:$0x3F94];
	s0 =	simm.s32 @p1 $0x1  }
0x15: {  	[smem:$0x3FB1] =	sst s0;
	s0 =	simm.s32 @!p2 $0x0  }
0x16: {  	s3 =	sld [smem:$0x3FDB];
	s0 =	simm.s32 @p2 $0x1  }
0x17: {  	s4 =	simm.s32 $0x1BF5;
	[smem:$0x3FB3] =	sst s0  }
0x18: {  	s0 =	sld [smem:$0x3F96];
	_ =	swait.ge [sflag:s4], $0x0  }
0x19: {  	s7 =	sld [smem:$0x3F97]  }
0x1a: {  	s8 =	sadd.s32 $0xFFFFE003, lr  }
0x1b: {  	s9 =	sadd.s32 $0xFFFFFEF7, lr;
	s5 =	simm.s32 $0xFFFFFFFF;
	p2 =	slt.u32 s8, $0xFFFFF086  }
0x1c: {  	p1 =	slt.u32 s9, $0xF7A;
	s5 =	simm.s32 @!p2 $0x0  }
0x1d: {  	s5 =	simm.s32 @p1 $0x1;
	p0 =	seq.s32 s7, s2  }
0x1e: {  	s7 =	smul.u32 @!p0 $0xF7A, s2;
	p2 =	seq.s32 @!p0 s5, $0x0  }
0x1f: {  	s9 =	smul.u32 $0xF7A, s1;
	s8 =	simm.s32 @!p0 $0x1BF5;
	p2 =	por !p2, p0  }
0x20: {  	[sflag:s8] =	ssyncset.s32 @!p0 $0xFFFFF086;
	s6 =	sadd.s32 @!p0 s3, s7;
	s7 =	simm.s32 @!p0 $0x108  }
0x21: {  	s3 =	sadd.s32 s3, s9;
	s6 =	sadd.s32 @!p0 $0x88, s6;
	s7 =	simm.s32 @p2 $0x1082  }
0x22: {  	[simem:s7], [sflag:s8] =	dma.local @!p0 [hbm:s6], $0xF7A  }
0x23: {  	s9 =	sor.u32 $0xD0000000, s2;
	s6 =	simm.s32 $0x108;
	_ =	swait.ge @!p0 [sflag:s8], $0x0  }
0x24: {  	s3 =	sadd.s32 $0x88, s3;
	s6 =	simm.s32 @!p1 $0x1082;
	[sflag:s4] =	ssyncset.s32 $0xFFFFF086  }
0x25: {  	[simem:s6], [sflag:s4] =	dma.local [hbm:s3], $0xF7A  }
0x26: {  	[smem:$0x3F97] =	sst s1;
	(tag) =	ssettag s2;
	_ =	strace s9  }
0x27: {  	s1 =	sld [smem:$0x3FA7]  }
0x28: {  	s2 =	sld [smem:$0x3FA8]  }
0x29: {  	s4 =	sld [smem:$0x3FAA]  }
0x2a: {  	p0 =	seq.s32 s5, $0x0;
	s5 =	sld [smem:$0x3FAB]  }
0x2b: {  	s6 =	sld [smem:$0x3FAC]  }
0x2c: {  	s7 =	sld [smem:$0x3FAD]  }
0x2d: {  	s3 =	simm.s32 $0x108;
	s8 =	sld [smem:$0x3FAE]  }
0x2e: {  	s3 =	simm.s32 @!p0 $0x1082;
	s9 =	sld [smem:$0x3FAF]  }
0x2f: {  	lr =	sadd.s32 s0, s3;
	s0 =	sld [smem:$0x3FA6]  }
0x30: {  	s3 =	sld [smem:$0x3FA9]  }
0x31: {  	[smem:$0x3FB2] =	sst s10  }
0x32: {  	s10 =	sld [smem:$0x3FB0];
	_ =	sdelay $0x3  }
0x33: {  	p0 =	seq.s32 s10, $0x1;
	s10 =	sld [smem:$0x3FB2];
	_ =	sdelay $0x3  }
0x34: {  	[smem:$0x3FB2] =	sst s10  }
0x35: {  	s10 =	sld [smem:$0x3FB1];
	_ =	sdelay $0x3  }
0x36: {  	p1 =	seq.s32 s10, $0x1;
	s10 =	sld [smem:$0x3FB2];
	_ =	sdelay $0x3  }
0x37: {  	[smem:$0x3FB2] =	sst s10  }
0x38: {  	s10 =	sld [smem:$0x3FB3]  }
0x39: {  	_ = 	snop;
	(pc) =	sbr.ind lr, $3  }
0x3a: {  	_ = 	snop  }
0x3b: {  	_ = 	snop  }
0x3c: {  	p2 =	seq.s32 s10, $0x1;
	s10 =	sld [smem:$0x3FB2]  }
0x3d: {  	_ =	shalt  }
0x3e: {  	_ =	shalt  }
0x3f: {  	_ =	shalt  }
0x40: {  	_ =	shalt  }
0x41: {  	_ =	shalt  }
0x42: {  	_ =	shalt  }
0x43: {  	_ =	shalt  }
0x44: {  	_ =	shalt  }
0x45: {  	_ =	shalt  }
0x46: {  	_ =	shalt  }
0x47: {  	_ =	shalt  }
0x48: {  	_ =	shalt  }
0x49: {  	_ =	shalt  }
0x4a: {  	_ =	shalt  }
0x4b: {  	_ =	shalt  }
0x4c: {  	_ =	shalt  }
0x4d: {  	_ =	shalt  }
0x4e: {  	_ =	shalt  }
0x4f: {  	_ =	shalt  }
0x50: {  	_ =	shalt  }
0x51: {  	_ =	shalt  }
0x52: {  	_ =	shalt  }
0x53: {  	_ =	shalt  }
0x54: {  	_ =	shalt  }
0x55: {  	_ =	shalt  }
0x56: {  	_ =	shalt  }
0x57: {  	_ =	shalt  }
0x58: {  	_ =	shalt  }
0x59: {  	_ =	shalt  }
0x5a: {  	_ =	shalt  }
0x5b: {  	_ =	shalt  }
0x5c: {  	_ =	shalt  }
0x5d: {  	_ =	shalt  }
0x5e: {  	_ =	shalt  }
0x5f: {  	_ =	shalt  }
0x60: {  	_ =	shalt  }
0x61: {  	_ =	shalt  }
0x62: {  	_ =	shalt  }
0x63: {  	_ =	shalt  }
0x64: {  	_ =	shalt  }
0x65: {  	_ =	shalt  }
0x66: {  	_ =	shalt  }
0x67: {  	_ =	shalt  }
0x68: {  	_ =	shalt  }
0x69: {  	_ =	shalt  }
0x6a: {  	_ =	shalt  }
0x6b: {  	_ =	shalt  }
0x6c: {  	_ =	shalt  }
0x6d: {  	_ =	shalt  }
0x6e: {  	_ =	shalt  }
0x6f: {  	_ =	shalt  }
0x70: {  	_ =	shalt  }
0x71: {  	_ =	shalt  }
0x72: {  	_ =	shalt  }
0x73: {  	_ =	shalt  }
0x74: {  	_ =	shalt  }
0x75: {  	_ =	shalt  }
0x76: {  	_ =	shalt  }
0x77: {  	_ =	shalt  }
0x78: {  	_ =	shalt  }
0x79: {  	_ =	shalt  }
0x7a: {  	_ =	shalt  }
0x7b: {  	_ =	shalt  }
0x7c: {  	_ =	shalt  }
0x7d: {  	_ =	shalt  }
0x7e: {  	_ =	shalt  }
0x7f: {  	_ =	shalt  }
0x80: {  	_ =	shalt  }
0x81: {  	_ =	shalt  }
0x82: {  	_ =	shalt  }
0x83: {  	_ =	shalt  }
0x84: {  	_ =	shalt  }
0x85: {  	_ =	shalt  }
0x86: {  	_ =	shalt  }
0x87: {  	_ =	shalt  }
.Lfunc_end0:
.L_simem_size_0:
called_computation.2_lowered:
.L_overlay_start_0:
0x88: {  	s2 =	sld [smem:$0x3FD9]  }
0x89: {  	s3 =	sld [smem:$0x3FFE];
	_ =	sdelay $0x1  }
0x8a: {  	s1 =	srdreg.scid  }
0x8b: {  	s0 =	sand.u32 $0x1, s1  }
0x8c: {  	s17 =	sshll.u32 s0, $0xA;
	s2 =	sadd.s32 s3, s2  }
0x8d: {  	s2 =	sadd.s32 s2, s17  }
0x8e: {  	[smem:$0x3FBE] =	sst s2  }
0x8f: {  	_ = 	snop  }
0x90: {  	s2 =	sld [smem:$0x3FD0];
	(tm) =	ssettm $0x1  }
0x91: {  	s18 =	sld [smem:$0x3FFB];
	_ =	sdelay $0x3  }
0x92: {  	_ =	strace s18  }
0x93: {  	s3 =	sld [smem:$0x3FFC];
	_ =	sdelay $0x3  }
0x94: {  	_ =	strace s3  }
0x95: {  	s3 =	sld [smem:$0x3FFD];
	_ =	sdelay $0x3  }
0x96: {  	_ =	strace s3  }
0x97: {  	_ =	strace $0x8FFFFFFF  }
0x98: {  	s19 =	sld [smem:$0x3FDB];
	_ =	sdelay $0x1  }
0x99: {  	s4 =	simm.s32 $_scs_section_size  }
0x9a: {  	s5 =	simm.s32 $_size__tile_overlayer_lowered;
	s6 =	simm.s32 $_tile_overlayer_lowered  }
0x9b: {  	s22 =	simm.s32 $0x1BFF;
	s21 =	sshll.u32 s6, $0x1;
	s3 =	sadd.s32 s4, s19  }
0x9c: {  	s7 =	simm.s32 $0x0;
	s20 =	sshll.u32 s5, $0x1;
	s5 =	sadd.s32 s21, s3  }
0x9d: {  	[timem:s7], [sflag:s22] =	dma.local [hbm:s5], s20  }
0x9e: {  	_ =	swait.ge [sflag:s22], s20  }
0x9f: {  	s4 =	ssub.s32 $0x0, s20;
	[sflag:s22] =	ssyncset.done $0x0  }
0xa0: {  	[sflag:s22] =	ssyncadd.s32 s4;
	_ =	sdelay $0x1  }
0xa1: {  	s23 =	simm.s32 $0x1B8B  }
0xa2: {  	_ =	swait.ge [sflag:s23], $0x1  }
0xa3: {  	[sflag:s23] =	ssyncset.done $0x0  }
0xa4: {  	s25 =	simm.s32 $0x1B8E;
	s24 =	sld [smem:$0x3FFE];
	[sflag:s23] =	ssyncadd.s32 $0xFFFFFFFF  }
0xa5: {  	s26 =	simm.s32 $execute0_lowered;
	[smem:$0x3FD2] =	sst s25  }
0xa6: {  	s5 =	sshll.u32 s26, $0x1;
	_ =	strace $0x8000004C;
	[dreg:$0x1] =	wrdreg $0xFFFFFFFF  }
0xa7: {  	s28 =	simm.s32 $_size_execute0_lowered;
	s3 =	sadd.s32 s3, s5;
	[dreg:$0x0] =	wrdreg $0x0  }
0xa8: {  	s5 =	sshll.u32 s28, $0x1;
	[dreg:$0x2] =	wrdreg s3  }
0xa9: {  	[dreg:$0x3] =	wrdreg s5  }
0xaa: {  	[dreg:$0x4] =	wrdreg $0xC0  }
0xab: {  	_ =	task [dreg:s7], $0x5FFFF  }
0xac: {  	[dreg:$0x1] =	wrdreg $0xFFFFFFFF  }
0xad: {  	[dreg:$0x0] =	wrdreg $0x60  }
0xae: {  	[dreg:$0x2] =	wrdreg s24  }
0xaf: {  	[dreg:$0x3] =	wrdreg s2  }
0xb0: {  	[dreg:$0x4] =	wrdreg $0xA9000  }
0xb1: {  	[dreg:$0x5] =	wrdreg $0x9  }
0xb2: {  	_ =	task.clear_ibuf [dreg:s7], $0x6FFFF;
	_ =	strace $0x9000004C  }
0xb3: {  	s29 =	simm.s32 $0x9;
	_ =	strace $0x8000004E  }
0xb4: {  	_ =	swait.ge [sflag:s29], $0x1  }
0xb5: {  	[sflag:s29] =	ssyncadd.s32 $0xFFFFFFFF  }
0xb6: {  	_ =	strace $0x9000004E  }
0xb7: {  	_ =	sfence  }
0xb8: {  	s30 =	sld [smem:$0x0];
	_ =	sdelay $0x2  }
0xb9: {  	s31 =	sshll.u32 s1, $0xD;
	s1 =	sshrl.u32 s1, $0x2  }
0xba: {  	s3 =	sand.u32 $0x4000, s31;
	s1 =	sadd.s32 s1, s30  }
0xbb: {  	s0 =	sor.u32 s3, s0;
	s1 =	sshll.u32 s1, $0x11  }
0xbc: {  	s0 =	sor.u32 s1, s0  }
0xbd: {  	s0 =	sadd.s32 $0x8F2B, s0  }
0xbe: {  	[sflag:s0] =	ssyncadd.remote.s32 $0x1  }
0xbf: {  	_ =	sfence.sel $0xFFFF  }
0xc0: {  	[dreg:$0x0] =	wrdreg $0xFFFFFFFF;
	(pc) =	sbr.abs _section_cstart, $3  }
0xc1: {  	[dreg:$0x1] =	wrdreg $0xFFFFFFFF  }
0xc2: {  	_ =	task.clear_ibuf [dreg:s7], $0x2FFFF;
	_ =	strace $0x9FFFFFFF  }
0xc3: {  	(tm) =	ssettm $0x7FFFFFFF  }
tec
execute0_lowered:
.L_overlay_start_1:
0x0: {  	(tag) =	ssettag $0x1  }
0x1: {  	s1 =	srdreg.scid;
	s8 =	rddreg [dreg:$0x0]  }
0x2: {  	s0 =	stileid.u32;
	s2 =	rddreg [dreg:$0x1]  }
0x3: {  	s3 =	rddreg [dreg:$0x2];
	s5 =	simm.s32 $0x0;
	s16 =	simm.s32 $0x80  }
0x4: {  	s17 =	simm.s32 $0x2900;
	s18 =	simm.s32 $0x6900;
	s21 =	simm.s32 $0x1  }
0x5: {  	s22 =	simm.s32 $0x3;
	s23 =	simm.s32 $0x2;
	s24 =	simm.s32 $0x4  }
0x6: {  	s25 =	simm.s32 $0x0;
	s7 =	sand.u32 $0x1, s1;
	s29 =	sshll.u32 s0, $0x1  }
0x7: {  	[smem:$0x7FF] =	sst s5;
	s10 =	smul.u32 $0x14000, s0;
	s6 =	sadd.s32 $0x16C00, s8  }
0x8: {  	s14 =	smul.u32 $0x50000, s0;
	s19 =	sshll.u32 s0, $0x6;
	s1 =	sor.u32 s7, s29  }
0x9: {  	s9 =	smul.u32 $0x140000, s7;
	_ =	strace $0x8000004D;
	s30 =	ssub.s32 $0x2, s7  }
0xa: {  	s7 =	sadd.s32 $0x2C00, s8;
	s19 =	sor.u32 $0x1C05, s19;
	s4 =	smul.u32 $0x2800, s1  }
0xb: {  	s13 =	sshrl.u32 s30, $0x1;
	s31 =	sshrl.u32 s14, $0x2;
	s14 =	simm.s32 $0x2800  }
0xc: {  	s9 =	sadd.s32 s10, s9;
	s13 =	ssub.s32 s30, s13;
	s20 =	sadd.s32 s31, s3  }
0xd: {  	s11 =	sshrl.u32 s4, $0x3;
	s9 =	sshrl.u32 s9, $0x3;
	s20 =	sshrl.u32 s20, $0x3  }
0xe: {  	s12 =	sadd.s32 s11, s8;
	s15 =	sadd.s32 s9, s8;
	s9 =	sadd.s32 s7, s11  }
0xf: {  	s8 =	sadd.s32 $0xCC00, s12;
	s10 =	sadd.s32 $0x10, s9;
	s11 =	sadd.s32 $0x3DE00, s15  }
0x10: {  	s12 =	smax.u32 s13, $0x1;
	s13 =	simm.s32 $0x5;
	s15 =	simm.s32 $0x2880  }
.LBB2_1:
0x11: {  	[tilespmem:s5], [sflag:$0x5] =	stream.linear.gather [hbm4b:s8+s5], $0x2800, $0x38;
	[tilespmem:$0x1E900] =	vst v63  }
0x12: {  	_ =	swait.ge [sflag:s13], $0x2800  }
0x13: {  	[sflag:s13] =	ssyncset.done $0x0  }
0x14: {  	[sflag:s13] =	ssyncadd.s32 $0xFFFFD800  }
0x15: {  	[tilespmem:s14], [sflag:$0x3] =	stream.linear.gather [hbm4b:s9+s5], $0x80, $0x38;
	[tilespmem:$0x1E900] =	vst v63  }
0x16: {  	_ = 	snop  }
0x17: {  	[tilespmem:s15], [sflag:$0x4] =	stream.linear.gather [hbm4b:s10+s5], $0x80, $0x38;
	[tilespmem:$0x1E900] =	vst v63  }
0x18: {  	_ = 	snop  }
0x19: {  	[tilespmem:s17], [sflag:$0x1] =	stream.indirect.gather [hbm4b:s6+s16], $0x80, s5, s16, $0xb8;
	[tilespmem:$0x1E900] =	vst v63  }
0x1a: {  	_ = 	snop  }
0x1b: {  	[tilespmem:s18], [sflag:$0x2] =	stream.indirect.gather [hbm4b:s6+s16], $0x80, s16, s16, $0xb8;
	[tilespmem:$0x1E900] =	vst v63  }
0x1c: {  	[spmem:s20], [sflag:s19] =	dma.local [hbm:s2], $0x2800  }
0x1d: {  	_ =	swait.ge [sflag:s13], $0x2800  }
0x1e: {  	[sflag:s13] =	ssyncset.done $0x0  }
0x1f: {  	[sflag:s13] =	ssyncadd.s32 $0xFFFFD800  }
0x20: {  	[bflag:$0x0] =	sbarrier.arrive $0xFFFF  }
0x21: {  	_ =	swait.ge [sflag:s21], $0x4000  }
0x22: {  	[sflag:s21] =	ssyncset.done $0x0  }
0x23: {  	[sflag:s21] =	ssyncadd.s32 $0xFFFFC000  }
0x24: {  	s26 =	simm.s32 $0x100;
	_ =	swait.ge [sflag:s22], $0x80  }
0x25: {  	s28 =	sand.u32 $0x7C00, s26;
	[sflag:s22] =	ssyncset.done $0x0  }
0x26: {  	s26 =	sand.u32 $0x300, s26;
	s28 =	sadd.s32 s4, s28;
	[sflag:s22] =	ssyncadd.s32 $0xFFFFFF80  }
0x27: {  	[spmem:s3] =	stream.indirect.scatter.add.f32 [tilespmem:s17], [sflag:$0x5], $0x80, s14, s16, $0xb8;
	[tilespmem:$0x1E900] =	vst v63  }
0x28: {  	s26 =	sor.u32 s26, s28;
	_ =	swait.ge [sflag:s13], $0x4000  }
0x29: {  	s26 =	sshrl.u32 s26, $0x3;
	[sflag:s13] =	ssyncset.done $0x0  }
0x2a: {  	s26 =	sadd.s32 s7, s26;
	[sflag:s13] =	ssyncadd.s32 $0xFFFFC000  }
0x2b: {  	[tilespmem:s14], [sflag:$0x3] =	stream.linear.gather [hbm4b:s26+s5], $0x80, $0x38;
	[tilespmem:$0x1E900] =	vst v63  }
0x2c: {  	s30 =	simm.s32 $0x100  }
0x2d: {  	[tilespmem:s17], [sflag:$0x1] =	stream.indirect.gather [hbm4b:s6+s16], $0x80, s30, s16, $0xb8;
	[tilespmem:$0x1E900] =	vst v63  }
0x2e: {  	_ =	swait.ge [sflag:s23], $0x4000  }
0x2f: {  	[sflag:s23] =	ssyncset.done $0x0  }
0x30: {  	[sflag:s23] =	ssyncadd.s32 $0xFFFFC000  }
0x31: {  	s31 =	simm.s32 $0x180;
	_ =	swait.ge [sflag:s24], $0x80  }
0x32: {  	s28 =	sand.u32 $0x7C00, s31;
	[sflag:s24] =	ssyncset.done $0x0  }
0x33: {  	s28 =	sadd.s32 s4, s28;
	s26 =	sand.u32 $0x380, s31;
	[sflag:s24] =	ssyncadd.s32 $0xFFFFFF80  }
0x34: {  	[spmem:s3] =	stream.indirect.scatter.add.f32 [tilespmem:s18], [sflag:$0x5], $0x80, s15, s16, $0xb8;
	[tilespmem:$0x1E900] =	vst v63  }
0x35: {  	s26 =	sor.u32 s26, s28;
	_ =	swait.ge [sflag:s13], $0x4000  }
0x36: {  	s26 =	sshrl.u32 s26, $0x3;
	[sflag:s13] =	ssyncset.done $0x0  }
0x37: {  	s26 =	sadd.s32 s7, s26;
	[sflag:s13] =	ssyncadd.s32 $0xFFFFC000  }
0x38: {  	[tilespmem:s15], [sflag:$0x4] =	stream.linear.gather [hbm4b:s26+s5], $0x80, $0x38;
	[tilespmem:$0x1E900] =	vst v63  }
0x39: {  	s29 =	simm.s32 $0x200;
	s28 =	simm.s32 $0x180;
	s26 =	simm.s32 $0x280  }
.LBB2_2:
0x3a: {  	s30 =	sadd.s32 $0x80, s29  }
0x3b: {  	p0 =	sne.s32 s26, $0x2780;
	s31 =	smov.u32 s26;
	s26 =	sadd.s32 $0x100, s26  }
0x3c: {  	[tilespmem:s18], [sflag:$0x2] =	stream.indirect.gather [hbm4b:s6+s16], $0x80, s28, s16, $0xb8;
	[tilespmem:$0x1E900] =	vst v63  }
0x3d: {  	s28 =	smov.u32 s30;
	_ =	swait.ge [sflag:s21], $0x4000  }
0x3e: {  	[sflag:s21] =	ssyncset.done $0x0  }
0x3f: {  	[sflag:s21] =	ssyncadd.s32 $0xFFFFC000  }
0x40: {  	_ =	swait.ge [sflag:s22], $0x80  }
0x41: {  	s30 =	sadd.s32 $0xFFFFFF80, s31;
	[sflag:s22] =	ssyncset.done $0x0  }
0x42: {  	s1 =	sand.u32 $0x7C00, s30;
	s30 =	sand.u32 $0x300, s30;
	[sflag:s22] =	ssyncadd.s32 $0xFFFFFF80  }
0x43: {  	[spmem:s3] =	stream.indirect.scatter.add.f32 [tilespmem:s17], [sflag:$0x5], $0x80, s14, s16, $0xb8;
	[tilespmem:$0x1E900] =	vst v63  }
0x44: {  	s1 =	sadd.s32 s4, s1;
	_ =	swait.ge [sflag:s13], $0x4000  }
0x45: {  	s1 =	sor.u32 s30, s1;
	[sflag:s13] =	ssyncset.done $0x0  }
0x46: {  	s1 =	sshrl.u32 s1, $0x3;
	[sflag:s13] =	ssyncadd.s32 $0xFFFFC000  }
0x47: {  	s1 =	sadd.s32 s7, s1  }
0x48: {  	[tilespmem:s14], [sflag:$0x3] =	stream.linear.gather [hbm4b:s1+s5], $0x80, $0x38;
	[tilespmem:$0x1E900] =	vst v63  }
0x49: {  	_ = 	snop  }
0x4a: {  	[tilespmem:s17], [sflag:$0x1] =	stream.indirect.gather [hbm4b:s6+s16], $0x80, s29, s16, $0xb8;
	[tilespmem:$0x1E900] =	vst v63  }
0x4b: {  	_ =	swait.ge [sflag:s23], $0x4000  }
0x4c: {  	[sflag:s23] =	ssyncset.done $0x0  }
0x4d: {  	[sflag:s23] =	ssyncadd.s32 $0xFFFFC000  }
0x4e: {  	_ =	swait.ge [sflag:s24], $0x80  }
0x4f: {  	s1 =	sand.u32 $0x7C00, s31;
	[sflag:s24] =	ssyncset.done $0x0  }
0x50: {  	s30 =	sand.u32 $0x380, s31;
	s1 =	sadd.s32 s4, s1;
	[sflag:s24] =	ssyncadd.s32 $0xFFFFFF80  }
0x51: {  	[spmem:s3] =	stream.indirect.scatter.add.f32 [tilespmem:s18], [sflag:$0x5], $0x80, s15, s16, $0xb8;
	[tilespmem:$0x1E900] =	vst v63  }
.Ltmp0:
0x52: {  	_ = 	snop;
	(pc) =	sbr.rel @p0 .LBB2_2-.Ltmp0, $4  }
0x53: {  	s1 =	sor.u32 s30, s1;
	_ =	swait.ge [sflag:s13], $0x4000  }
0x54: {  	s1 =	sshrl.u32 s1, $0x3;
	[sflag:s13] =	ssyncset.done $0x0  }
0x55: {  	s29 =	sadd.s32 $0x100, s29;
	s1 =	sadd.s32 s7, s1;
	[sflag:s13] =	ssyncadd.s32 $0xFFFFC000  }
0x56: {  	[tilespmem:s15], [sflag:$0x4] =	stream.linear.gather [hbm4b:s1+s5], $0x80, $0x38;
	[tilespmem:$0x1E900] =	vst v63  }
0x57: {  	[tilespmem:s18], [sflag:$0x2] =	stream.indirect.gather [hbm4b:s6+s16], $0x80, s28, s16, $0xb8;
	[tilespmem:$0x1E900] =	vst v63  }
0x58: {  	_ =	swait.ge [sflag:s21], $0x4000  }
0x59: {  	[sflag:s21] =	ssyncset.done $0x0  }
0x5a: {  	[sflag:s21] =	ssyncadd.s32 $0xFFFFC000  }
0x5b: {  	_ =	swait.ge [sflag:s22], $0x80  }
0x5c: {  	[sflag:s22] =	ssyncset.done $0x0  }
0x5d: {  	[sflag:s22] =	ssyncadd.s32 $0xFFFFFF80  }
0x5e: {  	[spmem:s3] =	stream.indirect.scatter.add.f32 [tilespmem:s17], [sflag:$0x5], $0x80, s14, s16, $0xb8;
	[tilespmem:$0x1E900] =	vst v63  }
0x5f: {  	_ =	swait.ge [sflag:s13], $0x4000  }
0x60: {  	[sflag:s13] =	ssyncset.done $0x0  }
0x61: {  	[sflag:s13] =	ssyncadd.s32 $0xFFFFC000  }
0x62: {  	_ =	swait.ge [sflag:s23], $0x4000  }
0x63: {  	[sflag:s23] =	ssyncset.done $0x0  }
0x64: {  	[sflag:s23] =	ssyncadd.s32 $0xFFFFC000  }
0x65: {  	_ =	swait.ge [sflag:s24], $0x80  }
0x66: {  	[sflag:s24] =	ssyncset.done $0x0  }
0x67: {  	[sflag:s24] =	ssyncadd.s32 $0xFFFFFF80  }
0x68: {  	[spmem:s3] =	stream.indirect.scatter.add.f32 [tilespmem:s18], [sflag:$0x5], $0x80, s15, s16, $0xb8;
	[tilespmem:$0x1E900] =	vst v63  }
0x69: {  	_ =	swait.ge [sflag:s13], $0x4000  }
0x6a: {  	s25 =	sadd.s32 $0x1, s25;
	[sflag:s13] =	ssyncset.done $0x0  }
0x6b: {  	p0 =	sne.s32 s25, s12;
	[sflag:s13] =	ssyncadd.s32 $0xFFFFC000  }
.Ltmp1:
0x6c: {  	[bflag:$0x0] =	sbarrier.arrive $0xFFFF;
	(pc) =	sbr.rel @p0 .LBB2_1-.Ltmp1, $4  }
0x6d: {  	[hbm:s11], [sflag:s19] =	dma.local [spmem:s20], $0x2800  }
0x6e: {  	_ =	swait.ge [sflag:s13], $0x2800  }
0x6f: {  	[sflag:s13] =	ssyncset.done $0x0  }
0x70: {  	[sflag:s13] =	ssyncadd.s32 $0xFFFFD800  }
0x71: {  	_ =	sfence.sel $0x180000  }
0x72: {  	[bflag:$0x0] =	sbarrier.arrive $0xFFFF  }
0x73: {  	_ =	strace $0x9000004D  }
0x74: {  	[bflag:$0x2] =	sbarrier.arrive $0xFFFF  }
0x75: {  	p0 =	sne.s32 s0, $0x0;
	s0 =	rddreg [dreg:$0x3]  }
0x76: {  	s0 =	sadd.s32 @!p0 $0x100000, s0  }
0x77: {  	[sflag:s0] =	ssyncadd.tile.s32 @!p0 $0x1;
	_ =	shalt  }
.Lfunc_end2:
_tile_overlayer_lowered:
.L_overlay_start_2:
0x78: {  	(tag) =	ssettag $0x2  }
0x79: {  	s0 =	rddreg [dreg:$0x0];
	s2 =	stileid.u32  }
0x7a: {  	s1 =	rddreg [dreg:$0x1];
	p0 =	sne.s32 s2, $0x0  }
0x7b: {  	s3 =	rddreg [dreg:$0x2];
	[bflag:$0x3] =	sbarrier.arrive $0xFFFF;
	s2 =	simm.s32 @!p0 $0x1C05  }
0x7c: {  	[timem:s3], [sflag:s2] =	dma.local @!p0 [hbm:s0], s1  }
0x7d: {  	s0 =	simm.s32 @!p0 $0x5  }
0x7e: {  	_ =	swait.ge @!p0 [sflag:s0], s1  }
0x7f: {  	s1 =	ssub.s32 @!p0 $0x0, s1;
	[sflag:s0] =	ssyncset.done @!p0 $0x0  }
0x80: {  	[sflag:s0] =	ssyncadd.s32 @!p0 s1  }
0x81: {  	[bflag:$0x3] =	sbarrier.arrive $0xFFFF  }
0x82: {  	_ =	shalt  }

// kernel: kernel.8.cloned.1.call-start
scs
__scs_entry_jumppad:
0x0: {  	(pc) =	sbr.rel $0x88, $3  }
0x1: {  	(tag) =	ssettag $0x0;
	lr =	simm.s32 $0x1  }
0x2: {  	[smem:$0x3F97] =	sst lr;
	_ =	strace $0xD0000000  }
0x3: {  	_ = 	snop  }
0x4: {  	_ = 	snop  }
0x5: {  	_ = 	snop  }
0x6: {  	_ = 	snop  }
0x7: {  	_ = 	snop  }
__scs_overlays_trampoline_lowered:
0x8: {  	[smem:$0x3FA6] =	sst s0  }
0x9: {  	[smem:$0x3FA7] =	sst s1  }
0xa: {  	[smem:$0x3FA8] =	sst s2  }
0xb: {  	[smem:$0x3FA9] =	sst s3  }
0xc: {  	[smem:$0x3FAA] =	sst s4  }
0xd: {  	[smem:$0x3FAB] =	sst s5  }
0xe: {  	[smem:$0x3FAC] =	sst s6  }
0xf: {  	[smem:$0x3FAD] =	sst s7  }
0x10: {  	[smem:$0x3FAE] =	sst s8  }
0x11: {  	[smem:$0x3FAF] =	sst s9;
	s0 =	simm.s32 @!p0 $0x0  }
0x12: {  	s1 =	sld [smem:$0x3F95];
	s0 =	simm.s32 @p0 $0x1  }
0x13: {  	[smem:$0x3FB0] =	sst s0;
	s0 =	simm.s32 @!p1 $0x0  }
0x14: {  	s2 =	sld [smem:$0x3F94];
	s0 =	simm.s32 @p1 $0x1  }
0x15: {  	[smem:$0x3FB1] =	sst s0;
	s0 =	simm.s32 @!p2 $0x0  }
0x16: {  	s3 =	sld [smem:$0x3FDB];
	s0 =	simm.s32 @p2 $0x1  }
0x17: {  	s4 =	simm.s32 $0x1BF5;
	[smem:$0x3FB3] =	sst s0  }
0x18: {  	s0 =	sld [smem:$0x3F96];
	_ =	swait.ge [sflag:s4], $0x0  }
0x19: {  	s7 =	sld [smem:$0x3F97]  }
0x1a: {  	s8 =	sadd.s32 $0xFFFFE003, lr  }
0x1b: {  	s9 =	sadd.s32 $0xFFFFFEF7, lr;
	s5 =	simm.s32 $0xFFFFFFFF;
	p2 =	slt.u32 s8, $0xFFFFF086  }
0x1c: {  	p1 =	slt.u32 s9, $0xF7A;
	s5 =	simm.s32 @!p2 $0x0  }
0x1d: {  	s5 =	simm.s32 @p1 $0x1;
	p0 =	seq.s32 s7, s2  }
0x1e: {  	s7 =	smul.u32 @!p0 $0xF7A, s2;
	p2 =	seq.s32 @!p0 s5, $0x0  }
0x1f: {  	s9 =	smul.u32 $0xF7A, s1;
	s8 =	simm.s32 @!p0 $0x1BF5;
	p2 =	por !p2, p0  }
0x20: {  	[sflag:s8] =	ssyncset.s32 @!p0 $0xFFFFF086;
	s6 =	sadd.s32 @!p0 s3, s7;
	s7 =	simm.s32 @!p0 $0x108  }
0x21: {  	s3 =	sadd.s32 s3, s9;
	s6 =	sadd.s32 @!p0 $0x88, s6;
	s7 =	simm.s32 @p2 $0x1082  }
0x22: {  	[simem:s7], [sflag:s8] =	dma.local @!p0 [hbm:s6], $0xF7A  }
0x23: {  	s9 =	sor.u32 $0xD0000000, s2;
	s6 =	simm.s32 $0x108;
	_ =	swait.ge @!p0 [sflag:s8], $0x0  }
0x24: {  	s3 =	sadd.s32 $0x88, s3;
	s6 =	simm.s32 @!p1 $0x1082;
	[sflag:s4] =	ssyncset.s32 $0xFFFFF086  }
0x25: {  	[simem:s6], [sflag:s4] =	dma.local [hbm:s3], $0xF7A  }
0x26: {  	[smem:$0x3F97] =	sst s1;
	(tag) =	ssettag s2;
	_ =	strace s9  }
0x27: {  	s1 =	sld [smem:$0x3FA7]  }
0x28: {  	s2 =	sld [smem:$0x3FA8]  }
0x29: {  	s4 =	sld [smem:$0x3FAA]  }
0x2a: {  	p0 =	seq.s32 s5, $0x0;
	s5 =	sld [smem:$0x3FAB]  }
0x2b: {  	s6 =	sld [smem:$0x3FAC]  }
0x2c: {  	s7 =	sld [smem:$0x3FAD]  }
0x2d: {  	s3 =	simm.s32 $0x108;
	s8 =	sld [smem:$0x3FAE]  }
0x2e: {  	s3 =	simm.s32 @!p0 $0x1082;
	s9 =	sld [smem:$0x3FAF]  }
0x2f: {  	lr =	sadd.s32 s0, s3;
	s0 =	sld [smem:$0x3FA6]  }
0x30: {  	s3 =	sld [smem:$0x3FA9]  }
0x31: {  	[smem:$0x3FB2] =	sst s10  }
0x32: {  	s10 =	sld [smem:$0x3FB0];
	_ =	sdelay $0x3  }
0x33: {  	p0 =	seq.s32 s10, $0x1;
	s10 =	sld [smem:$0x3FB2];
	_ =	sdelay $0x3  }
0x34: {  	[smem:$0x3FB2] =	sst s10  }
0x35: {  	s10 =	sld [smem:$0x3FB1];
	_ =	sdelay $0x3  }
0x36: {  	p1 =	seq.s32 s10, $0x1;
	s10 =	sld [smem:$0x3FB2];
	_ =	sdelay $0x3  }
0x37: {  	[smem:$0x3FB2] =	sst s10  }
0x38: {  	s10 =	sld [smem:$0x3FB3]  }
0x39: {  	_ = 	snop;
	(pc) =	sbr.ind lr, $3  }
0x3a: {  	_ = 	snop  }
0x3b: {  	_ = 	snop  }
0x3c: {  	p2 =	seq.s32 s10, $0x1;
	s10 =	sld [smem:$0x3FB2]  }
0x3d: {  	_ =	shalt  }
0x3e: {  	_ =	shalt  }
0x3f: {  	_ =	shalt  }
0x40: {  	_ =	shalt  }
0x41: {  	_ =	shalt  }
0x42: {  	_ =	shalt  }
0x43: {  	_ =	shalt  }
0x44: {  	_ =	shalt  }
0x45: {  	_ =	shalt  }
0x46: {  	_ =	shalt  }
0x47: {  	_ =	shalt  }
0x48: {  	_ =	shalt  }
0x49: {  	_ =	shalt  }
0x4a: {  	_ =	shalt  }
0x4b: {  	_ =	shalt  }
0x4c: {  	_ =	shalt  }
0x4d: {  	_ =	shalt  }
0x4e: {  	_ =	shalt  }
0x4f: {  	_ =	shalt  }
0x50: {  	_ =	shalt  }
0x51: {  	_ =	shalt  }
0x52: {  	_ =	shalt  }
0x53: {  	_ =	shalt  }
0x54: {  	_ =	shalt  }
0x55: {  	_ =	shalt  }
0x56: {  	_ =	shalt  }
0x57: {  	_ =	shalt  }
0x58: {  	_ =	shalt  }
0x59: {  	_ =	shalt  }
0x5a: {  	_ =	shalt  }
0x5b: {  	_ =	shalt  }
0x5c: {  	_ =	shalt  }
0x5d: {  	_ =	shalt  }
0x5e: {  	_ =	shalt  }
0x5f: {  	_ =	shalt  }
0x60: {  	_ =	shalt  }
0x61: {  	_ =	shalt  }
0x62: {  	_ =	shalt  }
0x63: {  	_ =	shalt  }
0x64: {  	_ =	shalt  }
0x65: {  	_ =	shalt  }
0x66: {  	_ =	shalt  }
0x67: {  	_ =	shalt  }
0x68: {  	_ =	shalt  }
0x69: {  	_ =	shalt  }
0x6a: {  	_ =	shalt  }
0x6b: {  	_ =	shalt  }
0x6c: {  	_ =	shalt  }
0x6d: {  	_ =	shalt  }
0x6e: {  	_ =	shalt  }
0x6f: {  	_ =	shalt  }
0x70: {  	_ =	shalt  }
0x71: {  	_ =	shalt  }
0x72: {  	_ =	shalt  }
0x73: {  	_ =	shalt  }
0x74: {  	_ =	shalt  }
0x75: {  	_ =	shalt  }
0x76: {  	_ =	shalt  }
0x77: {  	_ =	shalt  }
0x78: {  	_ =	shalt  }
0x79: {  	_ =	shalt  }
0x7a: {  	_ =	shalt  }
0x7b: {  	_ =	shalt  }
0x7c: {  	_ =	shalt  }
0x7d: {  	_ =	shalt  }
0x7e: {  	_ =	shalt  }
0x7f: {  	_ =	shalt  }
0x80: {  	_ =	shalt  }
0x81: {  	_ =	shalt  }
0x82: {  	_ =	shalt  }
0x83: {  	_ =	shalt  }
0x84: {  	_ =	shalt  }
0x85: {  	_ =	shalt  }
0x86: {  	_ =	shalt  }
0x87: {  	_ =	shalt  }
.Lfunc_end0:
.L_simem_size_0:
called_computation_lowered:
.L_overlay_start_0:
0x88: {  	s2 =	sld [smem:$0x3FD9]  }
0x89: {  	s3 =	sld [smem:$0x3FFE];
	_ =	sdelay $0x1  }
0x8a: {  	s1 =	srdreg.scid  }
0x8b: {  	s0 =	sand.u32 $0x1, s1  }
0x8c: {  	s17 =	sshll.u32 s0, $0xA;
	s2 =	sadd.s32 s3, s2  }
0x8d: {  	s2 =	sadd.s32 s2, s17  }
0x8e: {  	[smem:$0x3FBE] =	sst s2  }
0x8f: {  	_ = 	snop  }
0x90: {  	s2 =	sld [smem:$0x3FD0];
	(tm) =	ssettm $0x1  }
0x91: {  	s18 =	sld [smem:$0x3FFB];
	_ =	sdelay $0x3  }
0x92: {  	_ =	strace s18  }
0x93: {  	s3 =	sld [smem:$0x3FFC];
	_ =	sdelay $0x3  }
0x94: {  	_ =	strace s3  }
0x95: {  	s3 =	sld [smem:$0x3FFD];
	_ =	sdelay $0x3  }
0x96: {  	_ =	strace s3  }
0x97: {  	_ =	strace $0x8FFFFFFF  }
0x98: {  	s19 =	sld [smem:$0x3FDB];
	_ =	sdelay $0x1  }
0x99: {  	s4 =	simm.s32 $_scs_section_size  }
0x9a: {  	s5 =	simm.s32 $_size__tile_overlayer_lowered;
	s6 =	simm.s32 $_tile_overlayer_lowered  }
0x9b: {  	s22 =	simm.s32 $0x1BFF;
	s21 =	sshll.u32 s6, $0x1;
	s3 =	sadd.s32 s4, s19  }
0x9c: {  	s7 =	simm.s32 $0x0;
	s20 =	sshll.u32 s5, $0x1;
	s5 =	sadd.s32 s21, s3  }
0x9d: {  	[timem:s7], [sflag:s22] =	dma.local [hbm:s5], s20  }
0x9e: {  	_ =	swait.ge [sflag:s22], s20  }
0x9f: {  	s4 =	ssub.s32 $0x0, s20;
	[sflag:s22] =	ssyncset.done $0x0  }
0xa0: {  	[sflag:s22] =	ssyncadd.s32 s4;
	_ =	sdelay $0x1  }
0xa1: {  	s23 =	simm.s32 $0x1B8B  }
0xa2: {  	_ =	swait.ge [sflag:s23], $0x1  }
0xa3: {  	[sflag:s23] =	ssyncset.done $0x0  }
0xa4: {  	s25 =	simm.s32 $0x1B8E;
	s24 =	sld [smem:$0x3FFE];
	[sflag:s23] =	ssyncadd.s32 $0xFFFFFFFF  }
0xa5: {  	s26 =	simm.s32 $execute0_lowered;
	[smem:$0x3FD2] =	sst s25  }
0xa6: {  	s5 =	sshll.u32 s26, $0x1;
	_ =	strace $0x80000046;
	[dreg:$0x1] =	wrdreg $0xFFFFFFFF  }
0xa7: {  	s28 =	simm.s32 $_size_execute0_lowered;
	s3 =	sadd.s32 s3, s5;
	[dreg:$0x0] =	wrdreg $0x0  }
0xa8: {  	s5 =	sshll.u32 s28, $0x1;
	[dreg:$0x2] =	wrdreg s3  }
0xa9: {  	[dreg:$0x3] =	wrdreg s5  }
0xaa: {  	[dreg:$0x4] =	wrdreg $0xC0  }
0xab: {  	_ =	task [dreg:s7], $0x5FFFF  }
0xac: {  	[dreg:$0x1] =	wrdreg $0xFFFFFFFF  }
0xad: {  	[dreg:$0x0] =	wrdreg $0x60  }
0xae: {  	[dreg:$0x2] =	wrdreg s24  }
0xaf: {  	[dreg:$0x3] =	wrdreg s2  }
0xb0: {  	[dreg:$0x4] =	wrdreg $0x28800  }
0xb1: {  	[dreg:$0x5] =	wrdreg $0x9  }
0xb2: {  	_ =	task.clear_ibuf [dreg:s7], $0x6FFFF;
	_ =	strace $0x90000046  }
0xb3: {  	s29 =	simm.s32 $0x9;
	_ =	strace $0x80000048  }
0xb4: {  	_ =	swait.ge [sflag:s29], $0x1  }
0xb5: {  	[sflag:s29] =	ssyncadd.s32 $0xFFFFFFFF  }
0xb6: {  	_ =	strace $0x90000048  }
0xb7: {  	_ =	sfence  }
0xb8: {  	s30 =	sld [smem:$0x0];
	_ =	sdelay $0x2  }
0xb9: {  	s31 =	sshll.u32 s1, $0xD;
	s1 =	sshrl.u32 s1, $0x2  }
0xba: {  	s3 =	sand.u32 $0x4000, s31;
	s1 =	sadd.s32 s1, s30  }
0xbb: {  	s0 =	sor.u32 s3, s0;
	s1 =	sshll.u32 s1, $0x11  }
0xbc: {  	s0 =	sor.u32 s1, s0  }
0xbd: {  	s0 =	sadd.s32 $0x8F2B, s0  }
0xbe: {  	[sflag:s0] =	ssyncadd.remote.s32 $0x1  }
0xbf: {  	_ =	sfence.sel $0xFFFF  }
0xc0: {  	[dreg:$0x0] =	wrdreg $0xFFFFFFFF;
	(pc) =	sbr.abs _section_cstart, $3  }
0xc1: {  	[dreg:$0x1] =	wrdreg $0xFFFFFFFF  }
0xc2: {  	_ =	task.clear_ibuf [dreg:s7], $0x2FFFF;
	_ =	strace $0x9FFFFFFF  }
0xc3: {  	(tm) =	ssettm $0x7FFFFFFF  }
tec
execute0_lowered:
.L_overlay_start_1:
0x0: {  	(tag) =	ssettag $0x1  }
0x1: {  	s5 =	rddreg [dreg:$0x0]  }
0x2: {  	s1 =	srdreg.scid;
	s8 =	rddreg [dreg:$0x1]  }
0x3: {  	s0 =	stileid.u32;
	s2 =	rddreg [dreg:$0x2]  }
0x4: {  	s3 =	simm.s32 $0x0;
	s13 =	simm.s32 $0x80;
	s14 =	simm.s32 $0x20  }
0x5: {  	s15 =	simm.s32 $0x10;
	s16 =	simm.s32 $0x0;
	s6 =	sand.u32 $0x1, s1  }
0x6: {  	s29 =	sshll.u32 s0, $0x1;
	s1 =	rddreg [dreg:$0x3];
	s10 =	smul.u32 $0xA00, s0  }
0x7: {  	[smem:$0x7FF] =	sst s3;
	s12 =	smul.u32 $0x500, s0;
	s30 =	sshll.u32 s0, $0x6  }
0x8: {  	s4 =	sor.u32 s6, s29;
	_ =	strace $0x80000047;
	s9 =	ssub.s32 $0x2, s6  }
0x9: {  	s6 =	sshll.u32 s6, $0x7;
	s4 =	smul.u32 $0x500, s4;
	s11 =	sshrl.u32 s9, $0x1  }
0xa: {  	s10 =	sshrl.u32 s10, $0x2;
	s12 =	sor.u32 s6, s12;
	s6 =	sor.u32 $0x1C01, s30  }
0xb: {  	s9 =	ssub.s32 s9, s11;
	s10 =	sadd.s32 s10, s2;
	s31 =	sshrl.u32 s12, $0x3  }
0xc: {  	s11 =	simm.s32 $0x1;
	s12 =	simm.s32 $0x2800;
	s7 =	sadd.s32 s4, s5  }
0xd: {  	s4 =	sadd.s32 $0x16E00, s5;
	s5 =	sadd.s32 $0x16C00, s5;
	s8 =	sadd.s32 s8, s31  }
0xe: {  	s9 =	smax.u32 s9, $0x1;
	s10 =	sshrl.u32 s10, $0x3;
	s7 =	sadd.s32 $0x2C00, s7  }
.LBB2_1:
0xf: {  	[spmem:s10], [sflag:s6] =	dma.local [hbm:s5], $0x50  }
0x10: {  	_ =	swait.ge [sflag:s11], $0x50  }
0x11: {  	[sflag:s11] =	ssyncset.done $0x0  }
0x12: {  	[sflag:s11] =	ssyncadd.s32 $0xFFFFFFB0  }
0x13: {  	[tilespmem:s12], [sflag:$0x1] =	stream.linear.gather [hbm4b:s4+s3], $0x80, $0x38;
	[tilespmem:$0x2B00] =	vst v63  }
0x14: {  	_ =	swait.ge [sflag:s11], $0x80  }
0x15: {  	[sflag:s11] =	ssyncset.done $0x0  }
0x16: {  	[sflag:s11] =	ssyncadd.s32 $0xFFFFFF80  }
0x17: {  	[tilespmem:s3], [sflag:$0x1] =	stream.linear.gather [hbm4b:s7+s3], $0x2800, $0x38;
	[tilespmem:$0x2B00] =	vst v63  }
0x18: {  	_ =	swait.ge [sflag:s11], $0x2800  }
0x19: {  	[sflag:s11] =	ssyncset.done $0x0  }
0x1a: {  	[sflag:s11] =	ssyncadd.s32 $0xFFFFD800  }
0x1b: {  	s17 =	simm.s32 $0x0;
	[bflag:$0x0] =	sbarrier.arrive $0xFFFF  }
0x1c: {  	[spmem:s2] =	stream.indirect.scatter.add.f32 [tilespmem:s12], [sflag:$0x1], $0x1, s17, s13, $0xb8;
	[tilespmem:$0x2B00] =	vst v63  }
0x1d: {  	_ =	swait.ge [sflag:s11], $0x80  }
0x1e: {  	s17 =	simm.s32 $0x200;
	[sflag:s11] =	ssyncset.done $0x0  }
.LBB2_2:
0x1f: {  	s18 =	sshra.s32 s17, $0x2;
	[sflag:s11] =	ssyncadd.s32 $0xFFFFFF80;
	p0 =	sne.s32 s17, $0x9E00  }
0x20: {  	[spmem:s2] =	stream.indirect.scatter.add.f32 [tilespmem:s12], [sflag:$0x1], $0x1, s18, s13, $0xb8;
	[tilespmem:$0x2B00] =	vst v63  }
.Ltmp0:
0x21: {  	_ = 	snop;
	(pc) =	sbr.rel @p0 .LBB2_2-.Ltmp0, $4  }
0x22: {  	_ = 	snop  }
0x23: {  	s17 =	sadd.s32 $0x200, s17  }
0x24: {  	_ =	swait.ge [sflag:s11], $0x80  }
0x25: {  	[sflag:s11] =	ssyncset.done $0x0  }
0x26: {  	s16 =	sadd.s32 $0x1, s16  }
0x27: {  	[sflag:s11] =	ssyncadd.s32 $0xFFFFFF80;
	p0 =	sne.s32 s16, s9  }
.Ltmp1:
0x28: {  	[bflag:$0x0] =	sbarrier.arrive $0xFFFF;
	(pc) =	sbr.rel @p0 .LBB2_1-.Ltmp1, $4  }
0x29: {  	[hbm:s8@s14], [sflag:s6] =	dma.strided [spmem:s10@s15], $0x50, s11, $0x10   }
0x2a: {  	_ =	swait.ge [sflag:s11], $0x50  }
0x2b: {  	[sflag:s11] =	ssyncset.done $0x0  }
0x2c: {  	[sflag:s11] =	ssyncadd.s32 $0xFFFFFFB0  }
0x2d: {  	_ =	sfence.sel $0x180000  }
0x2e: {  	[bflag:$0x0] =	sbarrier.arrive $0xFFFF  }
0x2f: {  	p0 =	sne.s32 s0, $0x0;
	_ =	strace $0x90000047  }
0x30: {  	s0 =	sadd.s32 @!p0 $0x100000, s1;
	[bflag:$0x2] =	sbarrier.arrive $0xFFFF  }
0x31: {  	[sflag:s0] =	ssyncadd.tile.s32 @!p0 $0x1;
	_ =	shalt  }
.Lfunc_end2:
_tile_overlayer_lowered:
.L_overlay_start_2:
0x32: {  	(tag) =	ssettag $0x2  }
0x33: {  	s0 =	rddreg [dreg:$0x0];
	s2 =	stileid.u32  }
0x34: {  	s1 =	rddreg [dreg:$0x1];
	p0 =	sne.s32 s2, $0x0  }
0x35: {  	s3 =	rddreg [dreg:$0x2];
	[bflag:$0x3] =	sbarrier.arrive $0xFFFF;
	s2 =	simm.s32 @!p0 $0x1C01  }
0x36: {  	[timem:s3], [sflag:s2] =	dma.local @!p0 [hbm:s0], s1  }
0x37: {  	s0 =	simm.s32 @!p0 $0x1  }
0x38: {  	_ =	swait.ge @!p0 [sflag:s0], s1  }
0x39: {  	s1 =	ssub.s32 @!p0 $0x0, s1;
	[sflag:s0] =	ssyncset.done @!p0 $0x0  }
0x3a: {  	[sflag:s0] =	ssyncadd.s32 @!p0 s1  }
0x3b: {  	[bflag:$0x3] =	sbarrier.arrive $0xFFFF  }
0x3c: {  	_ =	shalt  }

</sc_bundles>
